<compile_context>
chip_gen: v7x
topology: tpu7x:2x2x1
jax: 0.10.2.dev20260603
libtpu: 0.0.44.dev20260713+nightly
codegen_flags: <defaults>
</compile_context>

<pallas_src>
import functools

import jax
import jax.numpy as jnp
from jax import lax
from jax.experimental import pallas as pl
from jax.experimental.pallas import tpu as pltpu
from jax.experimental.pallas import tpu_sc as plsc


def _relayout_body(in_ref, out_ref):
    x = in_ref[...].astype(jnp.bfloat16)
    eye = jnp.eye(x.shape[0], dtype=jnp.bfloat16)
    t = lax.dot_general(
        x, eye, (((0,), (0,)), ((), ())),
        preferred_element_type=jnp.float32,
    )
    t3 = t.reshape(t.shape[0] // 2, 2, t.shape[1])
    out_ref[:, 0:64] = t3[:, 0, :]
    out_ref[:, 64:128] = t3[:, 1, :]


@functools.lru_cache(maxsize=None)
def _make_relayout(V, D, W=4096):
    grid = (V + W - 1) // W

    return pl.pallas_call(
        _relayout_body,
        grid=(grid,),
        in_specs=[pl.BlockSpec((D, W), lambda g: (0, g))],
        out_specs=pl.BlockSpec((W // 2, 2 * D), lambda g: (g, 0)),
        out_shape=jax.ShapeDtypeStruct((V // 2, 2 * D), jnp.float32),
    )


@functools.lru_cache(maxsize=None)
def _make_pooling_kernel(B, L, V, D):
    info = plsc.get_sparse_core_info()
    NC, NS, NL = info.num_cores, info.num_subcores, info.num_lanes
    NW = NC * NS
    assert B % NW == 0 and D % NL == 0
    b_per_w = B // NW
    ND = D // NL
    inv_l = 1.0 / L

    chunks = []
    off = 0
    while off < L:
        sz = min(128, L - off)
        chunks.append((off, sz))
        off += sz

    U = 8
    while L % U:
        U -= 1

    mesh = plsc.VectorSubcoreMesh(core_axis_name="c", subcore_axis_name="s")

    @functools.partial(
        pl.kernel,
        mesh=mesh,
        compiler_params=pltpu.CompilerParams(use_tc_tiling_on_sc=False),
        out_type=jax.ShapeDtypeStruct((B, D), jnp.float32),
        scratch_types=[
            pltpu.VMEM((b_per_w, L), jnp.int32),
            pltpu.VMEM((2, L, D), jnp.float32),
            pltpu.VMEM((b_per_w, D), jnp.float32),
            pltpu.SemaphoreType.DMA,
            pltpu.SemaphoreType.DMA,
        ],
    )
    def pooled(x_hbm, emb_hbm, out_hbm, idx_v, rows_v, out_v, sem0, sem1):
        wid = lax.axis_index("s") * NC + lax.axis_index("c")
        base = wid * b_per_w
        sems = (sem0, sem1)

        pltpu.sync_copy(x_hbm.at[pl.ds(base, b_per_w)], idx_v)

        def gather_descs(b, slot):
            return [
                pltpu.make_async_copy(
                    emb_hbm.at[idx_v.at[b, pl.ds(off, sz)]],
                    rows_v.at[slot].at[pl.ds(off, sz)],
                    sems[slot],
                )
                for off, sz in chunks
            ]

        def issue(b, slot):
            for cp in gather_descs(b, slot):
                cp.start()

        def drain(b, slot):
            for cp in gather_descs(b, slot):
                cp.wait()

        def accum_row(slot, b):
            def j_body(j, accs):
                new = list(accs)
                for u in range(U):
                    jj = j * U + u
                    for d in range(ND):
                        new[d] = new[d] + rows_v[slot, jj, pl.ds(d * NL, NL)]
                return tuple(new)

            accs = lax.fori_loop(
                0, L // U, j_body,
                tuple(jnp.zeros((NL,), jnp.float32) for _ in range(ND)),
            )
            for d in range(ND):
                out_v[b, pl.ds(d * NL, NL)] = accs[d] * inv_l

        issue(0, 0)

        def b_body(i, carry):
            b0 = 2 * i
            issue(b0 + 1, 1)
            drain(b0, 0)
            accum_row(0, b0)

            @pl.when(b0 + 2 < b_per_w)
            def _():
                issue(b0 + 2, 0)

            drain(b0 + 1, 1)
            accum_row(1, b0 + 1)
            return carry

        lax.fori_loop(0, b_per_w // 2, b_body, 0)
        pltpu.sync_copy(out_v, out_hbm.at[pl.ds(base, b_per_w)])

    return pooled


def kernel(x, embedding):
    B, L = x.shape
    V, D = embedding.shape
    relayout = _make_relayout(V, D)
    emb_lin = relayout(embedding.T).reshape(V, D)
    pooled = _make_pooling_kernel(B, L, V, D)
    return pooled(x.astype(jnp.int32), emb_lin)

# --- scband reference (transcript-rebuilt; emitter-appended) ---
"""Pipeline reference for scband-global-pooling-classifier-8933531976217 (READ-ONLY COPY).

The authoritative reference and input builder live on the scoring server;
editing this copy changes nothing except your own understanding.
"""

import jax, jax.numpy as jnp
import numpy as np

VOCAB = 1000000
EMBED_DIM = 64
BATCH = 4096
HIST = 200

def setup_inputs(seed: int = 0) -> dict:
    key = jax.random.key(seed)
    k_idx, k_emb = jax.random.split(key)
    x = jax.random.randint(k_idx, (BATCH, HIST), 0, VOCAB, dtype=jnp.int64 if jax.config.jax_enable_x64 else jnp.int32)
    embedding = jax.random.normal(k_emb, (VOCAB, EMBED_DIM), dtype=jnp.float32)
    return {"x": x, "embedding": embedding}

def reference(x, embedding):
    # nn.Embedding lookup: gather rows
    emb = jnp.take(embedding, x, axis=0)  # [B, L, D]
    # avg pooling over sequence dim
    out = jnp.mean(emb, axis=1)  # [B, D]
    return out

if __name__ == "__main__":
    import jax
    _d = setup_inputs()
    print(jax.jit(kernel)(*tuple(_d.values())))

</pallas_src>

<mosaic_0001>
#map = affine_map<(d0, d1) -> (0, 0)>
module attributes {stable_mosaic.version = 14 : i64} {
  func.func @pooled(%arg0: i32, %arg1: i32, %arg2: memref<4096x200xi32, #tpu.memory_space<hbm>>, %arg3: memref<1000000x64xf32, #tpu.memory_space<hbm>>, %arg4: memref<4096x64xf32, #tpu.memory_space<hbm>>, %arg5: memref<128x200xi32, #tpu.memory_space<vmem>>, %arg6: memref<2x200x64xf32, #tpu.memory_space<vmem>>, %arg7: memref<128x64xf32, #tpu.memory_space<vmem>>, %arg8: memref<!tpu.dma_semaphore, #tpu.memory_space<semaphore_mem>>, %arg9: memref<!tpu.dma_semaphore, #tpu.memory_space<semaphore_mem>>) attributes {dimension_semantics = [#tpu.dimension_semantics<core_parallel>, #tpu.dimension_semantics<subcore_parallel>], iteration_bounds = array<i64: 2, 16>, scalar_prefetch = 0 : i64, scratch_operands = 5 : i64, tpu.core_type = #tpu.core_type<sc_vector_subcore>, window_params = [{transform_indices = #map}, {transform_indices = #map}, {transform_indices = #map}]} {
    %mul3A = arith.constant 2 : i32
    %mul3A_0 = arith.muli %arg1, %mul3A : i32
    %add3A = arith.addi %mul3A_0, %arg0 : i32
    %mul3A_1 = arith.constant 128 : i32
    %mul3A_2 = arith.muli %add3A, %mul3A_1 : i32
    "tpu.region"() ({
      %run_scoped3A = tpu.sem_alloc : memref<!tpu.dma_semaphore, #tpu.memory_space<semaphore_mem>>
      %dma_start3A_37 = arith.constant 0 : i32
      %dma_start3A_38 = tpu.memref_slice %arg2[%mul3A_2, %dma_start3A_37] : memref<4096x200xi32, #tpu.memory_space<hbm>> -> memref<128x200xi32, #tpu.memory_space<hbm>>
      %dma_start3A_39 = arith.constant 0 : i32
      %dma_start3A_40 = tpu.memref_slice %arg2[%mul3A_2, %dma_start3A_39] : memref<4096x200xi32, #tpu.memory_space<hbm>> -> memref<128x200xi32, #tpu.memory_space<hbm>>
      tpu.enqueue_dma source(%dma_start3A_40 : memref<128x200xi32, #tpu.memory_space<hbm>>) target(%arg5 : memref<128x200xi32, #tpu.memory_space<vmem>>) target_semaphore(%run_scoped3A : memref<!tpu.dma_semaphore, #tpu.memory_space<semaphore_mem>>)
      %dma_wait3A = arith.constant 0 : i32
      %dma_wait3A_41 = tpu.memref_slice %arg2[%mul3A_2, %dma_wait3A] : memref<4096x200xi32, #tpu.memory_space<hbm>> -> memref<128x200xi32, #tpu.memory_space<hbm>>
      %dma_wait3A_42 = arith.constant 0 : i32
      %dma_wait3A_43 = tpu.memref_slice %arg2[%mul3A_2, %dma_wait3A_42] : memref<4096x200xi32, #tpu.memory_space<hbm>> -> memref<128x200xi32, #tpu.memory_space<hbm>>
      tpu.wait_dma2 semaphore(%run_scoped3A : memref<!tpu.dma_semaphore, #tpu.memory_space<semaphore_mem>>) src(%dma_wait3A_43 : memref<128x200xi32, #tpu.memory_space<hbm>>) dst(%arg5 : memref<128x200xi32, #tpu.memory_space<vmem>>)
      tpu.yield
    }) : () -> ()
    %dma_start3A = arith.constant 0 : i32
    %dma_start3A_3 = arith.constant 0 : i32
    %dma_start3A_4 = arith.constant 0 : i32
    %dma_start3A_5 = arith.constant 0 : i32
    %dma_start3A_6 = tpu.memref_slice %arg6[%dma_start3A_3, %dma_start3A_4, %dma_start3A_5] : memref<2x200x64xf32, #tpu.memory_space<vmem>> -> memref<1x200x64xf32, #tpu.memory_space<vmem>>
    %dma_start3A_7 = tpu.memref_squeeze %dma_start3A_6 : memref<1x200x64xf32, #tpu.memory_space<vmem>> -> memref<200x64xf32, #tpu.memory_space<vmem>>
    %dma_start3A_8 = arith.constant 0 : i32
    %dma_start3A_9 = arith.constant 0 : i32
    %dma_start3A_10 = tpu.memref_slice %dma_start3A_7[%dma_start3A_8, %dma_start3A_9] : memref<200x64xf32, #tpu.memory_space<vmem>> -> memref<128x64xf32, #tpu.memory_space<vmem>>
    %dma_start3A_11 = arith.constant 0 : i32
    %dma_start3A_12 = tpu.memref_slice %arg5[%dma_start3A, %dma_start3A_11] : memref<128x200xi32, #tpu.memory_space<vmem>> -> memref<1x128xi32, #tpu.memory_space<vmem>>
    %dma_start3A_13 = tpu.memref_squeeze %dma_start3A_12 : memref<1x128xi32, #tpu.memory_space<vmem>> -> memref<128xi32, #tpu.memory_space<vmem>>
    %dma_start3A_14 = arith.constant 0 : i32
    %dma_start3A_15 = arith.constant 0 : i32
    %dma_start3A_16 = tpu.memref_slice %arg3[%dma_start3A_14, %dma_start3A_15] : memref<1000000x64xf32, #tpu.memory_space<hbm>> -> memref<1000000x64xf32, #tpu.memory_space<hbm>>
    tpu.enqueue_indirect_dma source(%dma_start3A_16 : memref<1000000x64xf32, #tpu.memory_space<hbm>>) target(%dma_start3A_10 : memref<128x64xf32, #tpu.memory_space<vmem>>) offsets(%dma_start3A_13 : memref<128xi32, #tpu.memory_space<vmem>>) semaphore(%arg8 : memref<!tpu.dma_semaphore, #tpu.memory_space<semaphore_mem>>)
    %dma_start3A_17 = arith.constant 0 : i32
    %dma_start3A_18 = arith.constant 0 : i32
    %dma_start3A_19 = arith.constant 0 : i32
    %dma_start3A_20 = arith.constant 0 : i32
    %dma_start3A_21 = tpu.memref_slice %arg6[%dma_start3A_18, %dma_start3A_19, %dma_start3A_20] : memref<2x200x64xf32, #tpu.memory_space<vmem>> -> memref<1x200x64xf32, #tpu.memory_space<vmem>>
    %dma_start3A_22 = tpu.memref_squeeze %dma_start3A_21 : memref<1x200x64xf32, #tpu.memory_space<vmem>> -> memref<200x64xf32, #tpu.memory_space<vmem>>
    %dma_start3A_23 = arith.constant 128 : i32
    %dma_start3A_24 = arith.constant 0 : i32
    %dma_start3A_25 = tpu.memref_slice %dma_start3A_22[%dma_start3A_23, %dma_start3A_24] : memref<200x64xf32, #tpu.memory_space<vmem>> -> memref<72x64xf32, #tpu.memory_space<vmem>>
    %dma_start3A_26 = arith.constant 128 : i32
    %dma_start3A_27 = tpu.memref_slice %arg5[%dma_start3A_17, %dma_start3A_26] : memref<128x200xi32, #tpu.memory_space<vmem>> -> memref<1x72xi32, #tpu.memory_space<vmem>>
    %dma_start3A_28 = tpu.memref_squeeze %dma_start3A_27 : memref<1x72xi32, #tpu.memory_space<vmem>> -> memref<72xi32, #tpu.memory_space<vmem>>
    %dma_start3A_29 = arith.constant 0 : i32
    %dma_start3A_30 = arith.constant 0 : i32
    %dma_start3A_31 = tpu.memref_slice %arg3[%dma_start3A_29, %dma_start3A_30] : memref<1000000x64xf32, #tpu.memory_space<hbm>> -> memref<1000000x64xf32, #tpu.memory_space<hbm>>
    tpu.enqueue_indirect_dma source(%dma_start3A_31 : memref<1000000x64xf32, #tpu.memory_space<hbm>>) target(%dma_start3A_25 : memref<72x64xf32, #tpu.memory_space<vmem>>) offsets(%dma_start3A_28 : memref<72xi32, #tpu.memory_space<vmem>>) semaphore(%arg8 : memref<!tpu.dma_semaphore, #tpu.memory_space<semaphore_mem>>)
    %scan3A = arith.constant 0 : i32
    %scan3A_32 = arith.constant 0 : i32
    %scan3A_33 = arith.constant 64 : i32
    %scan3A_34 = arith.addi %scan3A_32, %scan3A_33 : i32
    %scan3A_35 = arith.constant 1 : i32
    scf.for %scan3A_37 = %scan3A_32 to %scan3A_34 step %scan3A_35  : i32 {
      %mul3A_38 = arith.constant 2 : i32
      %mul3A_39 = arith.muli %mul3A_38, %scan3A_37 : i32
      %add3A_40 = arith.constant 1 : i32
      %add3A_41 = arith.addi %mul3A_39, %add3A_40 : i32
      %dma_start3A_42 = arith.constant 1 : i32
      %dma_start3A_43 = arith.constant 0 : i32
      %dma_start3A_44 = arith.constant 0 : i32
      %dma_start3A_45 = tpu.memref_slice %arg6[%dma_start3A_42, %dma_start3A_43, %dma_start3A_44] : memref<2x200x64xf32, #tpu.memory_space<vmem>> -> memref<1x200x64xf32, #tpu.memory_space<vmem>>
      %dma_start3A_46 = tpu.memref_squeeze %dma_start3A_45 : memref<1x200x64xf32, #tpu.memory_space<vmem>> -> memref<200x64xf32, #tpu.memory_space<vmem>>
      %dma_start3A_47 = arith.constant 0 : i32
      %dma_start3A_48 = arith.constant 0 : i32
      %dma_start3A_49 = tpu.memref_slice %dma_start3A_46[%dma_start3A_47, %dma_start3A_48] : memref<200x64xf32, #tpu.memory_space<vmem>> -> memref<128x64xf32, #tpu.memory_space<vmem>>
      %dma_start3A_50 = arith.constant 0 : i32
      %dma_start3A_51 = tpu.memref_slice %arg5[%add3A_41, %dma_start3A_50] : memref<128x200xi32, #tpu.memory_space<vmem>> -> memref<1x128xi32, #tpu.memory_space<vmem>>
      %dma_start3A_52 = tpu.memref_squeeze %dma_start3A_51 : memref<1x128xi32, #tpu.memory_space<vmem>> -> memref<128xi32, #tpu.memory_space<vmem>>
      %dma_start3A_53 = arith.constant 0 : i32
      %dma_start3A_54 = arith.constant 0 : i32
      %dma_start3A_55 = tpu.memref_slice %arg3[%dma_start3A_53, %dma_start3A_54] : memref<1000000x64xf32, #tpu.memory_space<hbm>> -> memref<1000000x64xf32, #tpu.memory_space<hbm>>
      tpu.enqueue_indirect_dma source(%dma_start3A_55 : memref<1000000x64xf32, #tpu.memory_space<hbm>>) target(%dma_start3A_49 : memref<128x64xf32, #tpu.memory_space<vmem>>) offsets(%dma_start3A_52 : memref<128xi32, #tpu.memory_space<vmem>>) semaphore(%arg9 : memref<!tpu.dma_semaphore, #tpu.memory_space<semaphore_mem>>)
      %dma_start3A_56 = arith.constant 1 : i32
      %dma_start3A_57 = arith.constant 0 : i32
      %dma_start3A_58 = arith.constant 0 : i32
      %dma_start3A_59 = tpu.memref_slice %arg6[%dma_start3A_56, %dma_start3A_57, %dma_start3A_58] : memref<2x200x64xf32, #tpu.memory_space<vmem>> -> memref<1x200x64xf32, #tpu.memory_space<vmem>>
      %dma_start3A_60 = tpu.memref_squeeze %dma_start3A_59 : memref<1x200x64xf32, #tpu.memory_space<vmem>> -> memref<200x64xf32, #tpu.memory_space<vmem>>
      %dma_start3A_61 = arith.constant 128 : i32
      %dma_start3A_62 = arith.constant 0 : i32
      %dma_start3A_63 = tpu.memref_slice %dma_start3A_60[%dma_start3A_61, %dma_start3A_62] : memref<200x64xf32, #tpu.memory_space<vmem>> -> memref<72x64xf32, #tpu.memory_space<vmem>>
      %dma_start3A_64 = arith.constant 128 : i32
      %dma_start3A_65 = tpu.memref_slice %arg5[%add3A_41, %dma_start3A_64] : memref<128x200xi32, #tpu.memory_space<vmem>> -> memref<1x72xi32, #tpu.memory_space<vmem>>
      %dma_start3A_66 = tpu.memref_squeeze %dma_start3A_65 : memref<1x72xi32, #tpu.memory_space<vmem>> -> memref<72xi32, #tpu.memory_space<vmem>>
      %dma_start3A_67 = arith.constant 0 : i32
      %dma_start3A_68 = arith.constant 0 : i32
      %dma_start3A_69 = tpu.memref_slice %arg3[%dma_start3A_67, %dma_start3A_68] : memref<1000000x64xf32, #tpu.memory_space<hbm>> -> memref<1000000x64xf32, #tpu.memory_space<hbm>>
      tpu.enqueue_indirect_dma source(%dma_start3A_69 : memref<1000000x64xf32, #tpu.memory_space<hbm>>) target(%dma_start3A_63 : memref<72x64xf32, #tpu.memory_space<vmem>>) offsets(%dma_start3A_66 : memref<72xi32, #tpu.memory_space<vmem>>) semaphore(%arg9 : memref<!tpu.dma_semaphore, #tpu.memory_space<semaphore_mem>>)
      %dma_wait3A = arith.constant 0 : i32
      %dma_wait3A_70 = arith.constant 0 : i32
      %dma_wait3A_71 = arith.constant 0 : i32
      %dma_wait3A_72 = tpu.memref_slice %arg6[%dma_wait3A, %dma_wait3A_70, %dma_wait3A_71] : memref<2x200x64xf32, #tpu.memory_space<vmem>> -> memref<1x200x64xf32, #tpu.memory_space<vmem>>
      %dma_wait3A_73 = tpu.memref_squeeze %dma_wait3A_72 : memref<1x200x64xf32, #tpu.memory_space<vmem>> -> memref<200x64xf32, #tpu.memory_space<vmem>>
      %dma_wait3A_74 = arith.constant 0 : i32
      %dma_wait3A_75 = arith.constant 0 : i32
      %dma_wait3A_76 = tpu.memref_slice %dma_wait3A_73[%dma_wait3A_74, %dma_wait3A_75] : memref<200x64xf32, #tpu.memory_space<vmem>> -> memref<128x64xf32, #tpu.memory_space<vmem>>
      %dma_wait3A_77 = arith.constant 0 : i32
      %dma_wait3A_78 = tpu.memref_slice %arg5[%mul3A_39, %dma_wait3A_77] : memref<128x200xi32, #tpu.memory_space<vmem>> -> memref<1x128xi32, #tpu.memory_space<vmem>>
      %dma_wait3A_79 = tpu.memref_squeeze %dma_wait3A_78 : memref<1x128xi32, #tpu.memory_space<vmem>> -> memref<128xi32, #tpu.memory_space<vmem>>
      %dma_wait3A_80 = arith.constant 0 : i32
      %dma_wait3A_81 = arith.constant 0 : i32
      %dma_wait3A_82 = tpu.memref_slice %arg3[%dma_wait3A_80, %dma_wait3A_81] : memref<1000000x64xf32, #tpu.memory_space<hbm>> -> memref<1000000x64xf32, #tpu.memory_space<hbm>>
      tpu.wait_indirect_dma semaphore(%arg8 : memref<!tpu.dma_semaphore, #tpu.memory_space<semaphore_mem>>) src(%dma_wait3A_82 : memref<1000000x64xf32, #tpu.memory_space<hbm>>) dst(%dma_wait3A_76 : memref<128x64xf32, #tpu.memory_space<vmem>>)
      %dma_wait3A_83 = arith.constant 0 : i32
      %dma_wait3A_84 = arith.constant 0 : i32
      %dma_wait3A_85 = arith.constant 0 : i32
      %dma_wait3A_86 = tpu.memref_slice %arg6[%dma_wait3A_83, %dma_wait3A_84, %dma_wait3A_85] : memref<2x200x64xf32, #tpu.memory_space<vmem>> -> memref<1x200x64xf32, #tpu.memory_space<vmem>>
      %dma_wait3A_87 = tpu.memref_squeeze %dma_wait3A_86 : memref<1x200x64xf32, #tpu.memory_space<vmem>> -> memref<200x64xf32, #tpu.memory_space<vmem>>
      %dma_wait3A_88 = arith.constant 128 : i32
      %dma_wait3A_89 = arith.constant 0 : i32
      %dma_wait3A_90 = tpu.memref_slice %dma_wait3A_87[%dma_wait3A_88, %dma_wait3A_89] : memref<200x64xf32, #tpu.memory_space<vmem>> -> memref<72x64xf32, #tpu.memory_space<vmem>>
      %dma_wait3A_91 = arith.constant 128 : i32
      %dma_wait3A_92 = tpu.memref_slice %arg5[%mul3A_39, %dma_wait3A_91] : memref<128x200xi32, #tpu.memory_space<vmem>> -> memref<1x72xi32, #tpu.memory_space<vmem>>
      %dma_wait3A_93 = tpu.memref_squeeze %dma_wait3A_92 : memref<1x72xi32, #tpu.memory_space<vmem>> -> memref<72xi32, #tpu.memory_space<vmem>>
      %dma_wait3A_94 = arith.constant 0 : i32
      %dma_wait3A_95 = arith.constant 0 : i32
      %dma_wait3A_96 = tpu.memref_slice %arg3[%dma_wait3A_94, %dma_wait3A_95] : memref<1000000x64xf32, #tpu.memory_space<hbm>> -> memref<1000000x64xf32, #tpu.memory_space<hbm>>
      tpu.wait_indirect_dma semaphore(%arg8 : memref<!tpu.dma_semaphore, #tpu.memory_space<semaphore_mem>>) src(%dma_wait3A_96 : memref<1000000x64xf32, #tpu.memory_space<hbm>>) dst(%dma_wait3A_90 : memref<72x64xf32, #tpu.memory_space<vmem>>)
      %broadcast_in_dim3A = arith.constant 0.000000e+00 : f32
      %broadcast_in_dim3A_97 = vector.broadcast %broadcast_in_dim3A : f32 to vector<16xf32>
      %broadcast_in_dim3A_98 = arith.constant 0.000000e+00 : f32
      %broadcast_in_dim3A_99 = vector.broadcast %broadcast_in_dim3A_98 : f32 to vector<16xf32>
      %broadcast_in_dim3A_100 = arith.constant 0.000000e+00 : f32
      %broadcast_in_dim3A_101 = vector.broadcast %broadcast_in_dim3A_100 : f32 to vector<16xf32>
      %broadcast_in_dim3A_102 = arith.constant 0.000000e+00 : f32
      %broadcast_in_dim3A_103 = vector.broadcast %broadcast_in_dim3A_102 : f32 to vector<16xf32>
      %scan3A_104 = arith.constant 0 : i32
      %scan3A_105 = arith.constant 25 : i32
      %scan3A_106 = arith.addi %scan3A_104, %scan3A_105 : i32
      %scan3A_107 = arith.constant 1 : i32
      %scan3A_108:4 = scf.for %scan3A_223 = %scan3A_104 to %scan3A_106 step %scan3A_107 iter_args(%scan3A_224 = %broadcast_in_dim3A_97, %scan3A_225 = %broadcast_in_dim3A_99, %scan3A_226 = %broadcast_in_dim3A_101, %scan3A_227 = %broadcast_in_dim3A_103) -> (vector<16xf32>, vector<16xf32>, vector<16xf32>, vector<16xf32>)  : i32 {
        %mul3A_228 = arith.constant 8 : i32
        %mul3A_229 = arith.muli %scan3A_223, %mul3A_228 : i32
        %add3A_230 = arith.constant 0 : i32
        %add3A_231 = arith.addi %mul3A_229, %add3A_230 : i32
        %get3A = arith.constant 0 : i32
        %get3A_232 = arith.index_cast %get3A : i32 to index
        %get3A_233 = arith.index_cast %add3A_231 : i32 to index
        %get3A_234 = arith.constant 0 : index
        %get3A_235 = tpu.vector_load %arg6[%get3A_232, %get3A_233, %get3A_234] {strides = array<i32>} : memref<2x200x64xf32, #tpu.memory_space<vmem>>, vector<1x1x16xf32>,
        %get3A_236 = vector.shape_cast %get3A_235 : vector<1x1x16xf32> to vector<16xf32>
        %add3A_237 = arith.addf %scan3A_224, %get3A_236 : vector<16xf32>
        %get3A_238 = arith.constant 0 : i32
        %get3A_239 = arith.index_cast %get3A_238 : i32 to index
        %get3A_240 = arith.index_cast %add3A_231 : i32 to index
        %get3A_241 = arith.constant 16 : index
        %get3A_242 = tpu.vector_load %arg6[%get3A_239, %get3A_240, %get3A_241] {strides = array<i32>} : memref<2x200x64xf32, #tpu.memory_space<vmem>>, vector<1x1x16xf32>,
        %get3A_243 = vector.shape_cast %get3A_242 : vector<1x1x16xf32> to vector<16xf32>
        %add3A_244 = arith.addf %scan3A_225, %get3A_243 : vector<16xf32>
        %get3A_245 = arith.constant 0 : i32
        %get3A_246 = arith.index_cast %get3A_245 : i32 to index
        %get3A_247 = arith.index_cast %add3A_231 : i32 to index
        %get3A_248 = arith.constant 32 : index
        %get3A_249 = tpu.vector_load %arg6[%get3A_246, %get3A_247, %get3A_248] {strides = array<i32>} : memref<2x200x64xf32, #tpu.memory_space<vmem>>, vector<1x1x16xf32>,
        %get3A_250 = vector.shape_cast %get3A_249 : vector<1x1x16xf32> to vector<16xf32>
        %add3A_251 = arith.addf %scan3A_226, %get3A_250 : vector<16xf32>
        %get3A_252 = arith.constant 0 : i32
        %get3A_253 = arith.index_cast %get3A_252 : i32 to index
        %get3A_254 = arith.index_cast %add3A_231 : i32 to index
        %get3A_255 = arith.constant 48 : index
        %get3A_256 = tpu.vector_load %arg6[%get3A_253, %get3A_254, %get3A_255] {strides = array<i32>} : memref<2x200x64xf32, #tpu.memory_space<vmem>>, vector<1x1x16xf32>,
        %get3A_257 = vector.shape_cast %get3A_256 : vector<1x1x16xf32> to vector<16xf32>
        %add3A_258 = arith.addf %scan3A_227, %get3A_257 : vector<16xf32>
        %mul3A_259 = arith.constant 8 : i32
        %mul3A_260 = arith.muli %scan3A_223, %mul3A_259 : i32
        %add3A_261 = arith.constant 1 : i32
        %add3A_262 = arith.addi %mul3A_260, %add3A_261 : i32
        %get3A_263 = arith.constant 0 : i32
        %get3A_264 = arith.index_cast %get3A_263 : i32 to index
        %get3A_265 = arith.index_cast %add3A_262 : i32 to index
        %get3A_266 = arith.constant 0 : index
        %get3A_267 = tpu.vector_load %arg6[%get3A_264, %get3A_265, %get3A_266] {strides = array<i32>} : memref<2x200x64xf32, #tpu.memory_space<vmem>>, vector<1x1x16xf32>,
        %get3A_268 = vector.shape_cast %get3A_267 : vector<1x1x16xf32> to vector<16xf32>
        %add3A_269 = arith.addf %add3A_237, %get3A_268 : vector<16xf32>
        %get3A_270 = arith.constant 0 : i32
        %get3A_271 = arith.index_cast %get3A_270 : i32 to index
        %get3A_272 = arith.index_cast %add3A_262 : i32 to index
        %get3A_273 = arith.constant 16 : index
        %get3A_274 = tpu.vector_load %arg6[%get3A_271, %get3A_272, %get3A_273] {strides = array<i32>} : memref<2x200x64xf32, #tpu.memory_space<vmem>>, vector<1x1x16xf32>,
        %get3A_275 = vector.shape_cast %get3A_274 : vector<1x1x16xf32> to vector<16xf32>
        %add3A_276 = arith.addf %add3A_244, %get3A_275 : vector<16xf32>
        %get3A_277 = arith.constant 0 : i32
        %get3A_278 = arith.index_cast %get3A_277 : i32 to index
        %get3A_279 = arith.index_cast %add3A_262 : i32 to index
        %get3A_280 = arith.constant 32 : index
        %get3A_281 = tpu.vector_load %arg6[%get3A_278, %get3A_279, %get3A_280] {strides = array<i32>} : memref<2x200x64xf32, #tpu.memory_space<vmem>>, vector<1x1x16xf32>,
        %get3A_282 = vector.shape_cast %get3A_281 : vector<1x1x16xf32> to vector<16xf32>
        %add3A_283 = arith.addf %add3A_251, %get3A_282 : vector<16xf32>
        %get3A_284 = arith.constant 0 : i32
        %get3A_285 = arith.index_cast %get3A_284 : i32 to index
        %get3A_286 = arith.index_cast %add3A_262 : i32 to index
        %get3A_287 = arith.constant 48 : index
        %get3A_288 = tpu.vector_load %arg6[%get3A_285, %get3A_286, %get3A_287] {strides = array<i32>} : memref<2x200x64xf32, #tpu.memory_space<vmem>>, vector<1x1x16xf32>,
        %get3A_289 = vector.shape_cast %get3A_288 : vector<1x1x16xf32> to vector<16xf32>
        %add3A_290 = arith.addf %add3A_258, %get3A_289 : vector<16xf32>
        %mul3A_291 = arith.constant 8 : i32
        %mul3A_292 = arith.muli %scan3A_223, %mul3A_291 : i32
        %add3A_293 = arith.constant 2 : i32
        %add3A_294 = arith.addi %mul3A_292, %add3A_293 : i32
        %get3A_295 = arith.constant 0 : i32
        %get3A_296 = arith.index_cast %get3A_295 : i32 to index
        %get3A_297 = arith.index_cast %add3A_294 : i32 to index
        %get3A_298 = arith.constant 0 : index
        %get3A_299 = tpu.vector_load %arg6[%get3A_296, %get3A_297, %get3A_298] {strides = array<i32>} : memref<2x200x64xf32, #tpu.memory_space<vmem>>, vector<1x1x16xf32>,
        %get3A_300 = vector.shape_cast %get3A_299 : vector<1x1x16xf32> to vector<16xf32>
        %add3A_301 = arith.addf %add3A_269, %get3A_300 : vector<16xf32>
        %get3A_302 = arith.constant 0 : i32
        %get3A_303 = arith.index_cast %get3A_302 : i32 to index
        %get3A_304 = arith.index_cast %add3A_294 : i32 to index
        %get3A_305 = arith.constant 16 : index
        %get3A_306 = tpu.vector_load %arg6[%get3A_303, %get3A_304, %get3A_305] {strides = array<i32>} : memref<2x200x64xf32, #tpu.memory_space<vmem>>, vector<1x1x16xf32>,
        %get3A_307 = vector.shape_cast %get3A_306 : vector<1x1x16xf32> to vector<16xf32>
        %add3A_308 = arith.addf %add3A_276, %get3A_307 : vector<16xf32>
        %get3A_309 = arith.constant 0 : i32
        %get3A_310 = arith.index_cast %get3A_309 : i32 to index
        %get3A_311 = arith.index_cast %add3A_294 : i32 to index
        %get3A_312 = arith.constant 32 : index
        %get3A_313 = tpu.vector_load %arg6[%get3A_310, %get3A_311, %get3A_312] {strides = array<i32>} : memref<2x200x64xf32, #tpu.memory_space<vmem>>, vector<1x1x16xf32>,
        %get3A_314 = vector.shape_cast %get3A_313 : vector<1x1x16xf32> to vector<16xf32>
        %add3A_315 = arith.addf %add3A_283, %get3A_314 : vector<16xf32>
        %get3A_316 = arith.constant 0 : i32
        %get3A_317 = arith.index_cast %get3A_316 : i32 to index
        %get3A_318 = arith.index_cast %add3A_294 : i32 to index
        %get3A_319 = arith.constant 48 : index
        %get3A_320 = tpu.vector_load %arg6[%get3A_317, %get3A_318, %get3A_319] {strides = array<i32>} : memref<2x200x64xf32, #tpu.memory_space<vmem>>, vector<1x1x16xf32>,
        %get3A_321 = vector.shape_cast %get3A_320 : vector<1x1x16xf32> to vector<16xf32>
        %add3A_322 = arith.addf %add3A_290, %get3A_321 : vector<16xf32>
        %mul3A_323 = arith.constant 8 : i32
        %mul3A_324 = arith.muli %scan3A_223, %mul3A_323 : i32
        %add3A_325 = arith.constant 3 : i32
        %add3A_326 = arith.addi %mul3A_324, %add3A_325 : i32
        %get3A_327 = arith.constant 0 : i32
        %get3A_328 = arith.index_cast %get3A_327 : i32 to index
        %get3A_329 = arith.index_cast %add3A_326 : i32 to index
        %get3A_330 = arith.constant 0 : index
        %get3A_331 = tpu.vector_load %arg6[%get3A_328, %get3A_329, %get3A_330] {strides = array<i32>} : memref<2x200x64xf32, #tpu.memory_space<vmem>>, vector<1x1x16xf32>,
        %get3A_332 = vector.shape_cast %get3A_331 : vector<1x1x16xf32> to vector<16xf32>
        %add3A_333 = arith.addf %add3A_301, %get3A_332 : vector<16xf32>
        %get3A_334 = arith.constant 0 : i32
        %get3A_335 = arith.index_cast %get3A_334 : i32 to index
        %get3A_336 = arith.index_cast %add3A_326 : i32 to index
        %get3A_337 = arith.constant 16 : index
        %get3A_338 = tpu.vector_load %arg6[%get3A_335, %get3A_336, %get3A_337] {strides = array<i32>} : memref<2x200x64xf32, #tpu.memory_space<vmem>>, vector<1x1x16xf32>,
        %get3A_339 = vector.shape_cast %get3A_338 : vector<1x1x16xf32> to vector<16xf32>
        %add3A_340 = arith.addf %add3A_308, %get3A_339 : vector<16xf32>
        %get3A_341 = arith.constant 0 : i32
        %get3A_342 = arith.index_cast %get3A_341 : i32 to index
        %get3A_343 = arith.index_cast %add3A_326 : i32 to index
        %get3A_344 = arith.constant 32 : index
        %get3A_345 = tpu.vector_load %arg6[%get3A_342, %get3A_343, %get3A_344] {strides = array<i32>} : memref<2x200x64xf32, #tpu.memory_space<vmem>>, vector<1x1x16xf32>,
        %get3A_346 = vector.shape_cast %get3A_345 : vector<1x1x16xf32> to vector<16xf32>
        %add3A_347 = arith.addf %add3A_315, %get3A_346 : vector<16xf32>
        %get3A_348 = arith.constant 0 : i32
        %get3A_349 = arith.index_cast %get3A_348 : i32 to index
        %get3A_350 = arith.index_cast %add3A_326 : i32 to index
        %get3A_351 = arith.constant 48 : index
        %get3A_352 = tpu.vector_load %arg6[%get3A_349, %get3A_350, %get3A_351] {strides = array<i32>} : memref<2x200x64xf32, #tpu.memory_space<vmem>>, vector<1x1x16xf32>,
        %get3A_353 = vector.shape_cast %get3A_352 : vector<1x1x16xf32> to vector<16xf32>
        %add3A_354 = arith.addf %add3A_322, %get3A_353 : vector<16xf32>
        %mul3A_355 = arith.constant 8 : i32
        %mul3A_356 = arith.muli %scan3A_223, %mul3A_355 : i32
        %add3A_357 = arith.constant 4 : i32
        %add3A_358 = arith.addi %mul3A_356, %add3A_357 : i32
        %get3A_359 = arith.constant 0 : i32
        %get3A_360 = arith.index_cast %get3A_359 : i32 to index
        %get3A_361 = arith.index_cast %add3A_358 : i32 to index
        %get3A_362 = arith.constant 0 : index
        %get3A_363 = tpu.vector_load %arg6[%get3A_360, %get3A_361, %get3A_362] {strides = array<i32>} : memref<2x200x64xf32, #tpu.memory_space<vmem>>, vector<1x1x16xf32>,
        %get3A_364 = vector.shape_cast %get3A_363 : vector<1x1x16xf32> to vector<16xf32>
        %add3A_365 = arith.addf %add3A_333, %get3A_364 : vector<16xf32>
        %get3A_366 = arith.constant 0 : i32
        %get3A_367 = arith.index_cast %get3A_366 : i32 to index
        %get3A_368 = arith.index_cast %add3A_358 : i32 to index
        %get3A_369 = arith.constant 16 : index
        %get3A_370 = tpu.vector_load %arg6[%get3A_367, %get3A_368, %get3A_369] {strides = array<i32>} : memref<2x200x64xf32, #tpu.memory_space<vmem>>, vector<1x1x16xf32>,
        %get3A_371 = vector.shape_cast %get3A_370 : vector<1x1x16xf32> to vector<16xf32>
        %add3A_372 = arith.addf %add3A_340, %get3A_371 : vector<16xf32>
        %get3A_373 = arith.constant 0 : i32
        %get3A_374 = arith.index_cast %get3A_373 : i32 to index
        %get3A_375 = arith.index_cast %add3A_358 : i32 to index
        %get3A_376 = arith.constant 32 : index
        %get3A_377 = tpu.vector_load %arg6[%get3A_374, %get3A_375, %get3A_376] {strides = array<i32>} : memref<2x200x64xf32, #tpu.memory_space<vmem>>, vector<1x1x16xf32>,
        %get3A_378 = vector.shape_cast %get3A_377 : vector<1x1x16xf32> to vector<16xf32>
        %add3A_379 = arith.addf %add3A_347, %get3A_378 : vector<16xf32>
        %get3A_380 = arith.constant 0 : i32
        %get3A_381 = arith.index_cast %get3A_380 : i32 to index
        %get3A_382 = arith.index_cast %add3A_358 : i32 to index
        %get3A_383 = arith.constant 48 : index
        %get3A_384 = tpu.vector_load %arg6[%get3A_381, %get3A_382, %get3A_383] {strides = array<i32>} : memref<2x200x64xf32, #tpu.memory_space<vmem>>, vector<1x1x16xf32>,
        %get3A_385 = vector.shape_cast %get3A_384 : vector<1x1x16xf32> to vector<16xf32>
        %add3A_386 = arith.addf %add3A_354, %get3A_385 : vector<16xf32>
        %mul3A_387 = arith.constant 8 : i32
        %mul3A_388 = arith.muli %scan3A_223, %mul3A_387 : i32
        %add3A_389 = arith.constant 5 : i32
        %add3A_390 = arith.addi %mul3A_388, %add3A_389 : i32
        %get3A_391 = arith.constant 0 : i32
        %get3A_392 = arith.index_cast %get3A_391 : i32 to index
        %get3A_393 = arith.index_cast %add3A_390 : i32 to index
        %get3A_394 = arith.constant 0 : index
        %get3A_395 = tpu.vector_load %arg6[%get3A_392, %get3A_393, %get3A_394] {strides = array<i32>} : memref<2x200x64xf32, #tpu.memory_space<vmem>>, vector<1x1x16xf32>,
        %get3A_396 = vector.shape_cast %get3A_395 : vector<1x1x16xf32> to vector<16xf32>
        %add3A_397 = arith.addf %add3A_365, %get3A_396 : vector<16xf32>
        %get3A_398 = arith.constant 0 : i32
        %get3A_399 = arith.index_cast %get3A_398 : i32 to index
        %get3A_400 = arith.index_cast %add3A_390 : i32 to index
        %get3A_401 = arith.constant 16 : index
        %get3A_402 = tpu.vector_load %arg6[%get3A_399, %get3A_400, %get3A_401] {strides = array<i32>} : memref<2x200x64xf32, #tpu.memory_space<vmem>>, vector<1x1x16xf32>,
        %get3A_403 = vector.shape_cast %get3A_402 : vector<1x1x16xf32> to vector<16xf32>
        %add3A_404 = arith.addf %add3A_372, %get3A_403 : vector<16xf32>
        %get3A_405 = arith.constant 0 : i32
        %get3A_406 = arith.index_cast %get3A_405 : i32 to index
        %get3A_407 = arith.index_cast %add3A_390 : i32 to index
        %get3A_408 = arith.constant 32 : index
        %get3A_409 = tpu.vector_load %arg6[%get3A_406, %get3A_407, %get3A_408] {strides = array<i32>} : memref<2x200x64xf32, #tpu.memory_space<vmem>>, vector<1x1x16xf32>,
        %get3A_410 = vector.shape_cast %get3A_409 : vector<1x1x16xf32> to vector<16xf32>
        %add3A_411 = arith.addf %add3A_379, %get3A_410 : vector<16xf32>
        %get3A_412 = arith.constant 0 : i32
        %get3A_413 = arith.index_cast %get3A_412 : i32 to index
        %get3A_414 = arith.index_cast %add3A_390 : i32 to index
        %get3A_415 = arith.constant 48 : index
        %get3A_416 = tpu.vector_load %arg6[%get3A_413, %get3A_414, %get3A_415] {strides = array<i32>} : memref<2x200x64xf32, #tpu.memory_space<vmem>>, vector<1x1x16xf32>,
        %get3A_417 = vector.shape_cast %get3A_416 : vector<1x1x16xf32> to vector<16xf32>
        %add3A_418 = arith.addf %add3A_386, %get3A_417 : vector<16xf32>
        %mul3A_419 = arith.constant 8 : i32
        %mul3A_420 = arith.muli %scan3A_223, %mul3A_419 : i32
        %add3A_421 = arith.constant 6 : i32
        %add3A_422 = arith.addi %mul3A_420, %add3A_421 : i32
        %get3A_423 = arith.constant 0 : i32
        %get3A_424 = arith.index_cast %get3A_423 : i32 to index
        %get3A_425 = arith.index_cast %add3A_422 : i32 to index
        %get3A_426 = arith.constant 0 : index
        %get3A_427 = tpu.vector_load %arg6[%get3A_424, %get3A_425, %get3A_426] {strides = array<i32>} : memref<2x200x64xf32, #tpu.memory_space<vmem>>, vector<1x1x16xf32>,
        %get3A_428 = vector.shape_cast %get3A_427 : vector<1x1x16xf32> to vector<16xf32>
        %add3A_429 = arith.addf %add3A_397, %get3A_428 : vector<16xf32>
        %get3A_430 = arith.constant 0 : i32
        %get3A_431 = arith.index_cast %get3A_430 : i32 to index
        %get3A_432 = arith.index_cast %add3A_422 : i32 to index
        %get3A_433 = arith.constant 16 : index
        %get3A_434 = tpu.vector_load %arg6[%get3A_431, %get3A_432, %get3A_433] {strides = array<i32>} : memref<2x200x64xf32, #tpu.memory_space<vmem>>, vector<1x1x16xf32>,
        %get3A_435 = vector.shape_cast %get3A_434 : vector<1x1x16xf32> to vector<16xf32>
        %add3A_436 = arith.addf %add3A_404, %get3A_435 : vector<16xf32>
        %get3A_437 = arith.constant 0 : i32
        %get3A_438 = arith.index_cast %get3A_437 : i32 to index
        %get3A_439 = arith.index_cast %add3A_422 : i32 to index
        %get3A_440 = arith.constant 32 : index
        %get3A_441 = tpu.vector_load %arg6[%get3A_438, %get3A_439, %get3A_440] {strides = array<i32>} : memref<2x200x64xf32, #tpu.memory_space<vmem>>, vector<1x1x16xf32>,
        %get3A_442 = vector.shape_cast %get3A_441 : vector<1x1x16xf32> to vector<16xf32>
        %add3A_443 = arith.addf %add3A_411, %get3A_442 : vector<16xf32>
        %get3A_444 = arith.constant 0 : i32
        %get3A_445 = arith.index_cast %get3A_444 : i32 to index
        %get3A_446 = arith.index_cast %add3A_422 : i32 to index
        %get3A_447 = arith.constant 48 : index
        %get3A_448 = tpu.vector_load %arg6[%get3A_445, %get3A_446, %get3A_447] {strides = array<i32>} : memref<2x200x64xf32, #tpu.memory_space<vmem>>, vector<1x1x16xf32>,
        %get3A_449 = vector.shape_cast %get3A_448 : vector<1x1x16xf32> to vector<16xf32>
        %add3A_450 = arith.addf %add3A_418, %get3A_449 : vector<16xf32>
        %mul3A_451 = arith.constant 8 : i32
        %mul3A_452 = arith.muli %scan3A_223, %mul3A_451 : i32
        %add3A_453 = arith.constant 7 : i32
        %add3A_454 = arith.addi %mul3A_452, %add3A_453 : i32
        %get3A_455 = arith.constant 0 : i32
        %get3A_456 = arith.index_cast %get3A_455 : i32 to index
        %get3A_457 = arith.index_cast %add3A_454 : i32 to index
        %get3A_458 = arith.constant 0 : index
        %get3A_459 = tpu.vector_load %arg6[%get3A_456, %get3A_457, %get3A_458] {strides = array<i32>} : memref<2x200x64xf32, #tpu.memory_space<vmem>>, vector<1x1x16xf32>,
        %get3A_460 = vector.shape_cast %get3A_459 : vector<1x1x16xf32> to vector<16xf32>
        %add3A_461 = arith.addf %add3A_429, %get3A_460 : vector<16xf32>
        %get3A_462 = arith.constant 0 : i32
        %get3A_463 = arith.index_cast %get3A_462 : i32 to index
        %get3A_464 = arith.index_cast %add3A_454 : i32 to index
        %get3A_465 = arith.constant 16 : index
        %get3A_466 = tpu.vector_load %arg6[%get3A_463, %get3A_464, %get3A_465] {strides = array<i32>} : memref<2x200x64xf32, #tpu.memory_space<vmem>>, vector<1x1x16xf32>,
        %get3A_467 = vector.shape_cast %get3A_466 : vector<1x1x16xf32> to vector<16xf32>
        %add3A_468 = arith.addf %add3A_436, %get3A_467 : vector<16xf32>
        %get3A_469 = arith.constant 0 : i32
        %get3A_470 = arith.index_cast %get3A_469 : i32 to index
        %get3A_471 = arith.index_cast %add3A_454 : i32 to index
        %get3A_472 = arith.constant 32 : index
        %get3A_473 = tpu.vector_load %arg6[%get3A_470, %get3A_471, %get3A_472] {strides = array<i32>} : memref<2x200x64xf32, #tpu.memory_space<vmem>>, vector<1x1x16xf32>,
        %get3A_474 = vector.shape_cast %get3A_473 : vector<1x1x16xf32> to vector<16xf32>
        %add3A_475 = arith.addf %add3A_443, %get3A_474 : vector<16xf32>
        %get3A_476 = arith.constant 0 : i32
        %get3A_477 = arith.index_cast %get3A_476 : i32 to index
        %get3A_478 = arith.index_cast %add3A_454 : i32 to index
        %get3A_479 = arith.constant 48 : index
        %get3A_480 = tpu.vector_load %arg6[%get3A_477, %get3A_478, %get3A_479] {strides = array<i32>} : memref<2x200x64xf32, #tpu.memory_space<vmem>>, vector<1x1x16xf32>,
        %get3A_481 = vector.shape_cast %get3A_480 : vector<1x1x16xf32> to vector<16xf32>
        %add3A_482 = arith.addf %add3A_450, %get3A_481 : vector<16xf32>
        scf.yield %add3A_461, %add3A_468, %add3A_475, %add3A_482 : vector<16xf32>, vector<16xf32>, vector<16xf32>, vector<16xf32>
      }
      %scan3A_109 = arith.constant 25 : i32
      %mul3A_110 = arith.constant 5.000000e-03 : f32
      %mul3A_111 = vector.broadcast %mul3A_110 : f32 to vector<16xf32>
      %mul3A_112 = arith.mulf %scan3A_108#0, %mul3A_111 : vector<16xf32>
      %swap3A = arith.index_cast %mul3A_39 : i32 to index
      %swap3A_113 = arith.constant 0 : index
      %swap3A_114 = tpu.vector_load %arg7[%swap3A, %swap3A_113] {strides = array<i32>} : memref<128x64xf32, #tpu.memory_space<vmem>>, vector<1x16xf32>,
      %swap3A_115 = vector.shape_cast %swap3A_114 : vector<1x16xf32> to vector<16xf32>
      %swap3A_116 = vector.shape_cast %mul3A_112 : vector<16xf32> to vector<1x16xf32>
      tpu.vector_store %arg7[%swap3A, %swap3A_113], %swap3A_116 {strides = array<i32>} : memref<128x64xf32, #tpu.memory_space<vmem>>, vector<1x16xf32>,
      %mul3A_117 = arith.constant 5.000000e-03 : f32
      %mul3A_118 = vector.broadcast %mul3A_117 : f32 to vector<16xf32>
      %mul3A_119 = arith.mulf %scan3A_108#1, %mul3A_118 : vector<16xf32>
      %swap3A_120 = arith.index_cast %mul3A_39 : i32 to index
      %swap3A_121 = arith.constant 16 : index
      %swap3A_122 = tpu.vector_load %arg7[%swap3A_120, %swap3A_121] {strides = array<i32>} : memref<128x64xf32, #tpu.memory_space<vmem>>, vector<1x16xf32>,
      %swap3A_123 = vector.shape_cast %swap3A_122 : vector<1x16xf32> to vector<16xf32>
      %swap3A_124 = vector.shape_cast %mul3A_119 : vector<16xf32> to vector<1x16xf32>
      tpu.vector_store %arg7[%swap3A_120, %swap3A_121], %swap3A_124 {strides = array<i32>} : memref<128x64xf32, #tpu.memory_space<vmem>>, vector<1x16xf32>,
      %mul3A_125 = arith.constant 5.000000e-03 : f32
      %mul3A_126 = vector.broadcast %mul3A_125 : f32 to vector<16xf32>
      %mul3A_127 = arith.mulf %scan3A_108#2, %mul3A_126 : vector<16xf32>
      %swap3A_128 = arith.index_cast %mul3A_39 : i32 to index
      %swap3A_129 = arith.constant 32 : index
      %swap3A_130 = tpu.vector_load %arg7[%swap3A_128, %swap3A_129] {strides = array<i32>} : memref<128x64xf32, #tpu.memory_space<vmem>>, vector<1x16xf32>,
      %swap3A_131 = vector.shape_cast %swap3A_130 : vector<1x16xf32> to vector<16xf32>
      %swap3A_132 = vector.shape_cast %mul3A_127 : vector<16xf32> to vector<1x16xf32>
      tpu.vector_store %arg7[%swap3A_128, %swap3A_129], %swap3A_132 {strides = array<i32>} : memref<128x64xf32, #tpu.memory_space<vmem>>, vector<1x16xf32>,
      %mul3A_133 = arith.constant 5.000000e-03 : f32
      %mul3A_134 = vector.broadcast %mul3A_133 : f32 to vector<16xf32>
      %mul3A_135 = arith.mulf %scan3A_108#3, %mul3A_134 : vector<16xf32>
      %swap3A_136 = arith.index_cast %mul3A_39 : i32 to index
      %swap3A_137 = arith.constant 48 : index
      %swap3A_138 = tpu.vector_load %arg7[%swap3A_136, %swap3A_137] {strides = array<i32>} : memref<128x64xf32, #tpu.memory_space<vmem>>, vector<1x16xf32>,
      %swap3A_139 = vector.shape_cast %swap3A_138 : vector<1x16xf32> to vector<16xf32>
      %swap3A_140 = vector.shape_cast %mul3A_135 : vector<16xf32> to vector<1x16xf32>
      tpu.vector_store %arg7[%swap3A_136, %swap3A_137], %swap3A_140 {strides = array<i32>} : memref<128x64xf32, #tpu.memory_space<vmem>>, vector<1x16xf32>,
      %add3A_141 = arith.constant 2 : i32
      %add3A_142 = arith.addi %mul3A_39, %add3A_141 : i32
      %lt3A = arith.constant 128 : i32
      %lt3A_143 = arith.cmpi slt, %add3A_142, %lt3A : i32
      %convert_element_type3A = arith.extui %lt3A_143 : i1 to i32
      %cond3A = arith.constant 0 : i32
      %cond3A_144 = arith.cmpi ne, %convert_element_type3A, %cond3A : i32
      scf.if %cond3A_144 {
        %add3A_223 = arith.constant 2 : i32
        %add3A_224 = arith.addi %mul3A_39, %add3A_223 : i32
        %dma_start3A_225 = arith.constant 0 : i32
        %dma_start3A_226 = arith.constant 0 : i32
        %dma_start3A_227 = arith.constant 0 : i32
        %dma_start3A_228 = tpu.memref_slice %arg6[%dma_start3A_225, %dma_start3A_226, %dma_start3A_227] : memref<2x200x64xf32, #tpu.memory_space<vmem>> -> memref<1x200x64xf32, #tpu.memory_space<vmem>>
        %dma_start3A_229 = tpu.memref_squeeze %dma_start3A_228 : memref<1x200x64xf32, #tpu.memory_space<vmem>> -> memref<200x64xf32, #tpu.memory_space<vmem>>
        %dma_start3A_230 = arith.constant 0 : i32
        %dma_start3A_231 = arith.constant 0 : i32
        %dma_start3A_232 = tpu.memref_slice %dma_start3A_229[%dma_start3A_230, %dma_start3A_231] : memref<200x64xf32, #tpu.memory_space<vmem>> -> memref<128x64xf32, #tpu.memory_space<vmem>>
        %dma_start3A_233 = arith.constant 0 : i32
        %dma_start3A_234 = tpu.memref_slice %arg5[%add3A_224, %dma_start3A_233] : memref<128x200xi32, #tpu.memory_space<vmem>> -> memref<1x128xi32, #tpu.memory_space<vmem>>
        %dma_start3A_235 = tpu.memref_squeeze %dma_start3A_234 : memref<1x128xi32, #tpu.memory_space<vmem>> -> memref<128xi32, #tpu.memory_space<vmem>>
        %dma_start3A_236 = arith.constant 0 : i32
        %dma_start3A_237 = arith.constant 0 : i32
        %dma_start3A_238 = tpu.memref_slice %arg3[%dma_start3A_236, %dma_start3A_237] : memref<1000000x64xf32, #tpu.memory_space<hbm>> -> memref<1000000x64xf32, #tpu.memory_space<hbm>>
        tpu.enqueue_indirect_dma source(%dma_start3A_238 : memref<1000000x64xf32, #tpu.memory_space<hbm>>) target(%dma_start3A_232 : memref<128x64xf32, #tpu.memory_space<vmem>>) offsets(%dma_start3A_235 : memref<128xi32, #tpu.memory_space<vmem>>) semaphore(%arg8 : memref<!tpu.dma_semaphore, #tpu.memory_space<semaphore_mem>>)
        %dma_start3A_239 = arith.constant 0 : i32
        %dma_start3A_240 = arith.constant 0 : i32
        %dma_start3A_241 = arith.constant 0 : i32
        %dma_start3A_242 = tpu.memref_slice %arg6[%dma_start3A_239, %dma_start3A_240, %dma_start3A_241] : memref<2x200x64xf32, #tpu.memory_space<vmem>> -> memref<1x200x64xf32, #tpu.memory_space<vmem>>
        %dma_start3A_243 = tpu.memref_squeeze %dma_start3A_242 : memref<1x200x64xf32, #tpu.memory_space<vmem>> -> memref<200x64xf32, #tpu.memory_space<vmem>>
        %dma_start3A_244 = arith.constant 128 : i32
        %dma_start3A_245 = arith.constant 0 : i32
        %dma_start3A_246 = tpu.memref_slice %dma_start3A_243[%dma_start3A_244, %dma_start3A_245] : memref<200x64xf32, #tpu.memory_space<vmem>> -> memref<72x64xf32, #tpu.memory_space<vmem>>
        %dma_start3A_247 = arith.constant 128 : i32
        %dma_start3A_248 = tpu.memref_slice %arg5[%add3A_224, %dma_start3A_247] : memref<128x200xi32, #tpu.memory_space<vmem>> -> memref<1x72xi32, #tpu.memory_space<vmem>>
        %dma_start3A_249 = tpu.memref_squeeze %dma_start3A_248 : memref<1x72xi32, #tpu.memory_space<vmem>> -> memref<72xi32, #tpu.memory_space<vmem>>
        %dma_start3A_250 = arith.constant 0 : i32
        %dma_start3A_251 = arith.constant 0 : i32
        %dma_start3A_252 = tpu.memref_slice %arg3[%dma_start3A_250, %dma_start3A_251] : memref<1000000x64xf32, #tpu.memory_space<hbm>> -> memref<1000000x64xf32, #tpu.memory_space<hbm>>
        tpu.enqueue_indirect_dma source(%dma_start3A_252 : memref<1000000x64xf32, #tpu.memory_space<hbm>>) target(%dma_start3A_246 : memref<72x64xf32, #tpu.memory_space<vmem>>) offsets(%dma_start3A_249 : memref<72xi32, #tpu.memory_space<vmem>>) semaphore(%arg8 : memref<!tpu.dma_semaphore, #tpu.memory_space<semaphore_mem>>)
      } else {
      }
      %add3A_145 = arith.constant 1 : i32
      %add3A_146 = arith.addi %mul3A_39, %add3A_145 : i32
      %dma_wait3A_147 = arith.constant 1 : i32
      %dma_wait3A_148 = arith.constant 0 : i32
      %dma_wait3A_149 = arith.constant 0 : i32
      %dma_wait3A_150 = tpu.memref_slice %arg6[%dma_wait3A_147, %dma_wait3A_148, %dma_wait3A_149] : memref<2x200x64xf32, #tpu.memory_space<vmem>> -> memref<1x200x64xf32, #tpu.memory_space<vmem>>
      %dma_wait3A_151 = tpu.memref_squeeze %dma_wait3A_150 : memref<1x200x64xf32, #tpu.memory_space<vmem>> -> memref<200x64xf32, #tpu.memory_space<vmem>>
      %dma_wait3A_152 = arith.constant 0 : i32
      %dma_wait3A_153 = arith.constant 0 : i32
      %dma_wait3A_154 = tpu.memref_slice %dma_wait3A_151[%dma_wait3A_152, %dma_wait3A_153] : memref<200x64xf32, #tpu.memory_space<vmem>> -> memref<128x64xf32, #tpu.memory_space<vmem>>
      %dma_wait3A_155 = arith.constant 0 : i32
      %dma_wait3A_156 = tpu.memref_slice %arg5[%add3A_146, %dma_wait3A_155] : memref<128x200xi32, #tpu.memory_space<vmem>> -> memref<1x128xi32, #tpu.memory_space<vmem>>
      %dma_wait3A_157 = tpu.memref_squeeze %dma_wait3A_156 : memref<1x128xi32, #tpu.memory_space<vmem>> -> memref<128xi32, #tpu.memory_space<vmem>>
      %dma_wait3A_158 = arith.constant 0 : i32
      %dma_wait3A_159 = arith.constant 0 : i32
      %dma_wait3A_160 = tpu.memref_slice %arg3[%dma_wait3A_158, %dma_wait3A_159] : memref<1000000x64xf32, #tpu.memory_space<hbm>> -> memref<1000000x64xf32, #tpu.memory_space<hbm>>
      tpu.wait_indirect_dma semaphore(%arg9 : memref<!tpu.dma_semaphore, #tpu.memory_space<semaphore_mem>>) src(%dma_wait3A_160 : memref<1000000x64xf32, #tpu.memory_space<hbm>>) dst(%dma_wait3A_154 : memref<128x64xf32, #tpu.memory_space<vmem>>)
      %dma_wait3A_161 = arith.constant 1 : i32
      %dma_wait3A_162 = arith.constant 0 : i32
      %dma_wait3A_163 = arith.constant 0 : i32
      %dma_wait3A_164 = tpu.memref_slice %arg6[%dma_wait3A_161, %dma_wait3A_162, %dma_wait3A_163] : memref<2x200x64xf32, #tpu.memory_space<vmem>> -> memref<1x200x64xf32, #tpu.memory_space<vmem>>
      %dma_wait3A_165 = tpu.memref_squeeze %dma_wait3A_164 : memref<1x200x64xf32, #tpu.memory_space<vmem>> -> memref<200x64xf32, #tpu.memory_space<vmem>>
      %dma_wait3A_166 = arith.constant 128 : i32
      %dma_wait3A_167 = arith.constant 0 : i32
      %dma_wait3A_168 = tpu.memref_slice %dma_wait3A_165[%dma_wait3A_166, %dma_wait3A_167] : memref<200x64xf32, #tpu.memory_space<vmem>> -> memref<72x64xf32, #tpu.memory_space<vmem>>
      %dma_wait3A_169 = arith.constant 128 : i32
      %dma_wait3A_170 = tpu.memref_slice %arg5[%add3A_146, %dma_wait3A_169] : memref<128x200xi32, #tpu.memory_space<vmem>> -> memref<1x72xi32, #tpu.memory_space<vmem>>
      %dma_wait3A_171 = tpu.memref_squeeze %dma_wait3A_170 : memref<1x72xi32, #tpu.memory_space<vmem>> -> memref<72xi32, #tpu.memory_space<vmem>>
      %dma_wait3A_172 = arith.constant 0 : i32
      %dma_wait3A_173 = arith.constant 0 : i32
      %dma_wait3A_174 = tpu.memref_slice %arg3[%dma_wait3A_172, %dma_wait3A_173] : memref<1000000x64xf32, #tpu.memory_space<hbm>> -> memref<1000000x64xf32, #tpu.memory_space<hbm>>
      tpu.wait_indirect_dma semaphore(%arg9 : memref<!tpu.dma_semaphore, #tpu.memory_space<semaphore_mem>>) src(%dma_wait3A_174 : memref<1000000x64xf32, #tpu.memory_space<hbm>>) dst(%dma_wait3A_168 : memref<72x64xf32, #tpu.memory_space<vmem>>)
      %add3A_175 = arith.constant 1 : i32
      %add3A_176 = arith.addi %mul3A_39, %add3A_175 : i32
      %broadcast_in_dim3A_177 = arith.constant 0.000000e+00 : f32
      %broadcast_in_dim3A_178 = vector.broadcast %broadcast_in_dim3A_177 : f32 to vector<16xf32>
      %broadcast_in_dim3A_179 = arith.constant 0.000000e+00 : f32
      %broadcast_in_dim3A_180 = vector.broadcast %broadcast_in_dim3A_179 : f32 to vector<16xf32>
      %broadcast_in_dim3A_181 = arith.constant 0.000000e+00 : f32
      %broadcast_in_dim3A_182 = vector.broadcast %broadcast_in_dim3A_181 : f32 to vector<16xf32>
      %broadcast_in_dim3A_183 = arith.constant 0.000000e+00 : f32
      %broadcast_in_dim3A_184 = vector.broadcast %broadcast_in_dim3A_183 : f32 to vector<16xf32>
      %scan3A_185 = arith.constant 0 : i32
      %scan3A_186 = arith.constant 25 : i32
      %scan3A_187 = arith.addi %scan3A_185, %scan3A_186 : i32
      %scan3A_188 = arith.constant 1 : i32
      %scan3A_189:4 = scf.for %scan3A_223 = %scan3A_185 to %scan3A_187 step %scan3A_188 iter_args(%scan3A_224 = %broadcast_in_dim3A_178, %scan3A_225 = %broadcast_in_dim3A_180, %scan3A_226 = %broadcast_in_dim3A_182, %scan3A_227 = %broadcast_in_dim3A_184) -> (vector<16xf32>, vector<16xf32>, vector<16xf32>, vector<16xf32>)  : i32 {
        %mul3A_228 = arith.constant 8 : i32
        %mul3A_229 = arith.muli %scan3A_223, %mul3A_228 : i32
        %add3A_230 = arith.constant 0 : i32
        %add3A_231 = arith.addi %mul3A_229, %add3A_230 : i32
        %get3A = arith.constant 1 : i32
        %get3A_232 = arith.index_cast %get3A : i32 to index
        %get3A_233 = arith.index_cast %add3A_231 : i32 to index
        %get3A_234 = arith.constant 0 : index
        %get3A_235 = tpu.vector_load %arg6[%get3A_232, %get3A_233, %get3A_234] {strides = array<i32>} : memref<2x200x64xf32, #tpu.memory_space<vmem>>, vector<1x1x16xf32>,
        %get3A_236 = vector.shape_cast %get3A_235 : vector<1x1x16xf32> to vector<16xf32>
        %add3A_237 = arith.addf %scan3A_224, %get3A_236 : vector<16xf32>
        %get3A_238 = arith.constant 1 : i32
        %get3A_239 = arith.index_cast %get3A_238 : i32 to index
        %get3A_240 = arith.index_cast %add3A_231 : i32 to index
        %get3A_241 = arith.constant 16 : index
        %get3A_242 = tpu.vector_load %arg6[%get3A_239, %get3A_240, %get3A_241] {strides = array<i32>} : memref<2x200x64xf32, #tpu.memory_space<vmem>>, vector<1x1x16xf32>,
        %get3A_243 = vector.shape_cast %get3A_242 : vector<1x1x16xf32> to vector<16xf32>
        %add3A_244 = arith.addf %scan3A_225, %get3A_243 : vector<16xf32>
        %get3A_245 = arith.constant 1 : i32
        %get3A_246 = arith.index_cast %get3A_245 : i32 to index
        %get3A_247 = arith.index_cast %add3A_231 : i32 to index
        %get3A_248 = arith.constant 32 : index
        %get3A_249 = tpu.vector_load %arg6[%get3A_246, %get3A_247, %get3A_248] {strides = array<i32>} : memref<2x200x64xf32, #tpu.memory_space<vmem>>, vector<1x1x16xf32>,
        %get3A_250 = vector.shape_cast %get3A_249 : vector<1x1x16xf32> to vector<16xf32>
        %add3A_251 = arith.addf %scan3A_226, %get3A_250 : vector<16xf32>
        %get3A_252 = arith.constant 1 : i32
        %get3A_253 = arith.index_cast %get3A_252 : i32 to index
        %get3A_254 = arith.index_cast %add3A_231 : i32 to index
        %get3A_255 = arith.constant 48 : index
        %get3A_256 = tpu.vector_load %arg6[%get3A_253, %get3A_254, %get3A_255] {strides = array<i32>} : memref<2x200x64xf32, #tpu.memory_space<vmem>>, vector<1x1x16xf32>,
        %get3A_257 = vector.shape_cast %get3A_256 : vector<1x1x16xf32> to vector<16xf32>
        %add3A_258 = arith.addf %scan3A_227, %get3A_257 : vector<16xf32>
        %mul3A_259 = arith.constant 8 : i32
        %mul3A_260 = arith.muli %scan3A_223, %mul3A_259 : i32
        %add3A_261 = arith.constant 1 : i32
        %add3A_262 = arith.addi %mul3A_260, %add3A_261 : i32
        %get3A_263 = arith.constant 1 : i32
        %get3A_264 = arith.index_cast %get3A_263 : i32 to index
        %get3A_265 = arith.index_cast %add3A_262 : i32 to index
        %get3A_266 = arith.constant 0 : index
        %get3A_267 = tpu.vector_load %arg6[%get3A_264, %get3A_265, %get3A_266] {strides = array<i32>} : memref<2x200x64xf32, #tpu.memory_space<vmem>>, vector<1x1x16xf32>,
        %get3A_268 = vector.shape_cast %get3A_267 : vector<1x1x16xf32> to vector<16xf32>
        %add3A_269 = arith.addf %add3A_237, %get3A_268 : vector<16xf32>
        %get3A_270 = arith.constant 1 : i32
        %get3A_271 = arith.index_cast %get3A_270 : i32 to index
        %get3A_272 = arith.index_cast %add3A_262 : i32 to index
        %get3A_273 = arith.constant 16 : index
        %get3A_274 = tpu.vector_load %arg6[%get3A_271, %get3A_272, %get3A_273] {strides = array<i32>} : memref<2x200x64xf32, #tpu.memory_space<vmem>>, vector<1x1x16xf32>,
        %get3A_275 = vector.shape_cast %get3A_274 : vector<1x1x16xf32> to vector<16xf32>
        %add3A_276 = arith.addf %add3A_244, %get3A_275 : vector<16xf32>
        %get3A_277 = arith.constant 1 : i32
        %get3A_278 = arith.index_cast %get3A_277 : i32 to index
        %get3A_279 = arith.index_cast %add3A_262 : i32 to index
        %get3A_280 = arith.constant 32 : index
        %get3A_281 = tpu.vector_load %arg6[%get3A_278, %get3A_279, %get3A_280] {strides = array<i32>} : memref<2x200x64xf32, #tpu.memory_space<vmem>>, vector<1x1x16xf32>,
        %get3A_282 = vector.shape_cast %get3A_281 : vector<1x1x16xf32> to vector<16xf32>
        %add3A_283 = arith.addf %add3A_251, %get3A_282 : vector<16xf32>
        %get3A_284 = arith.constant 1 : i32
        %get3A_285 = arith.index_cast %get3A_284 : i32 to index
        %get3A_286 = arith.index_cast %add3A_262 : i32 to index
        %get3A_287 = arith.constant 48 : index
        %get3A_288 = tpu.vector_load %arg6[%get3A_285, %get3A_286, %get3A_287] {strides = array<i32>} : memref<2x200x64xf32, #tpu.memory_space<vmem>>, vector<1x1x16xf32>,
        %get3A_289 = vector.shape_cast %get3A_288 : vector<1x1x16xf32> to vector<16xf32>
        %add3A_290 = arith.addf %add3A_258, %get3A_289 : vector<16xf32>
        %mul3A_291 = arith.constant 8 : i32
        %mul3A_292 = arith.muli %scan3A_223, %mul3A_291 : i32
        %add3A_293 = arith.constant 2 : i32
        %add3A_294 = arith.addi %mul3A_292, %add3A_293 : i32
        %get3A_295 = arith.constant 1 : i32
        %get3A_296 = arith.index_cast %get3A_295 : i32 to index
        %get3A_297 = arith.index_cast %add3A_294 : i32 to index
        %get3A_298 = arith.constant 0 : index
        %get3A_299 = tpu.vector_load %arg6[%get3A_296, %get3A_297, %get3A_298] {strides = array<i32>} : memref<2x200x64xf32, #tpu.memory_space<vmem>>, vector<1x1x16xf32>,
        %get3A_300 = vector.shape_cast %get3A_299 : vector<1x1x16xf32> to vector<16xf32>
        %add3A_301 = arith.addf %add3A_269, %get3A_300 : vector<16xf32>
        %get3A_302 = arith.constant 1 : i32
        %get3A_303 = arith.index_cast %get3A_302 : i32 to index
        %get3A_304 = arith.index_cast %add3A_294 : i32 to index
        %get3A_305 = arith.constant 16 : index
        %get3A_306 = tpu.vector_load %arg6[%get3A_303, %get3A_304, %get3A_305] {strides = array<i32>} : memref<2x200x64xf32, #tpu.memory_space<vmem>>, vector<1x1x16xf32>,
        %get3A_307 = vector.shape_cast %get3A_306 : vector<1x1x16xf32> to vector<16xf32>
        %add3A_308 = arith.addf %add3A_276, %get3A_307 : vector<16xf32>
        %get3A_309 = arith.constant 1 : i32
        %get3A_310 = arith.index_cast %get3A_309 : i32 to index
        %get3A_311 = arith.index_cast %add3A_294 : i32 to index
        %get3A_312 = arith.constant 32 : index
        %get3A_313 = tpu.vector_load %arg6[%get3A_310, %get3A_311, %get3A_312] {strides = array<i32>} : memref<2x200x64xf32, #tpu.memory_space<vmem>>, vector<1x1x16xf32>,
        %get3A_314 = vector.shape_cast %get3A_313 : vector<1x1x16xf32> to vector<16xf32>
        %add3A_315 = arith.addf %add3A_283, %get3A_314 : vector<16xf32>
        %get3A_316 = arith.constant 1 : i32
        %get3A_317 = arith.index_cast %get3A_316 : i32 to index
        %get3A_318 = arith.index_cast %add3A_294 : i32 to index
        %get3A_319 = arith.constant 48 : index
        %get3A_320 = tpu.vector_load %arg6[%get3A_317, %get3A_318, %get3A_319] {strides = array<i32>} : memref<2x200x64xf32, #tpu.memory_space<vmem>>, vector<1x1x16xf32>,
        %get3A_321 = vector.shape_cast %get3A_320 : vector<1x1x16xf32> to vector<16xf32>
        %add3A_322 = arith.addf %add3A_290, %get3A_321 : vector<16xf32>
        %mul3A_323 = arith.constant 8 : i32
        %mul3A_324 = arith.muli %scan3A_223, %mul3A_323 : i32
        %add3A_325 = arith.constant 3 : i32
        %add3A_326 = arith.addi %mul3A_324, %add3A_325 : i32
        %get3A_327 = arith.constant 1 : i32
        %get3A_328 = arith.index_cast %get3A_327 : i32 to index
        %get3A_329 = arith.index_cast %add3A_326 : i32 to index
        %get3A_330 = arith.constant 0 : index
        %get3A_331 = tpu.vector_load %arg6[%get3A_328, %get3A_329, %get3A_330] {strides = array<i32>} : memref<2x200x64xf32, #tpu.memory_space<vmem>>, vector<1x1x16xf32>,
        %get3A_332 = vector.shape_cast %get3A_331 : vector<1x1x16xf32> to vector<16xf32>
        %add3A_333 = arith.addf %add3A_301, %get3A_332 : vector<16xf32>
        %get3A_334 = arith.constant 1 : i32
        %get3A_335 = arith.index_cast %get3A_334 : i32 to index
        %get3A_336 = arith.index_cast %add3A_326 : i32 to index
        %get3A_337 = arith.constant 16 : index
        %get3A_338 = tpu.vector_load %arg6[%get3A_335, %get3A_336, %get3A_337] {strides = array<i32>} : memref<2x200x64xf32, #tpu.memory_space<vmem>>, vector<1x1x16xf32>,
        %get3A_339 = vector.shape_cast %get3A_338 : vector<1x1x16xf32> to vector<16xf32>
        %add3A_340 = arith.addf %add3A_308, %get3A_339 : vector<16xf32>
        %get3A_341 = arith.constant 1 : i32
        %get3A_342 = arith.index_cast %get3A_341 : i32 to index
        %get3A_343 = arith.index_cast %add3A_326 : i32 to index
        %get3A_344 = arith.constant 32 : index
        %get3A_345 = tpu.vector_load %arg6[%get3A_342, %get3A_343, %get3A_344] {strides = array<i32>} : memref<2x200x64xf32, #tpu.memory_space<vmem>>, vector<1x1x16xf32>,
        %get3A_346 = vector.shape_cast %get3A_345 : vector<1x1x16xf32> to vector<16xf32>
        %add3A_347 = arith.addf %add3A_315, %get3A_346 : vector<16xf32>
        %get3A_348 = arith.constant 1 : i32
        %get3A_349 = arith.index_cast %get3A_348 : i32 to index
        %get3A_350 = arith.index_cast %add3A_326 : i32 to index
        %get3A_351 = arith.constant 48 : index
        %get3A_352 = tpu.vector_load %arg6[%get3A_349, %get3A_350, %get3A_351] {strides = array<i32>} : memref<2x200x64xf32, #tpu.memory_space<vmem>>, vector<1x1x16xf32>,
        %get3A_353 = vector.shape_cast %get3A_352 : vector<1x1x16xf32> to vector<16xf32>
        %add3A_354 = arith.addf %add3A_322, %get3A_353 : vector<16xf32>
        %mul3A_355 = arith.constant 8 : i32
        %mul3A_356 = arith.muli %scan3A_223, %mul3A_355 : i32
        %add3A_357 = arith.constant 4 : i32
        %add3A_358 = arith.addi %mul3A_356, %add3A_357 : i32
        %get3A_359 = arith.constant 1 : i32
        %get3A_360 = arith.index_cast %get3A_359 : i32 to index
        %get3A_361 = arith.index_cast %add3A_358 : i32 to index
        %get3A_362 = arith.constant 0 : index
        %get3A_363 = tpu.vector_load %arg6[%get3A_360, %get3A_361, %get3A_362] {strides = array<i32>} : memref<2x200x64xf32, #tpu.memory_space<vmem>>, vector<1x1x16xf32>,
        %get3A_364 = vector.shape_cast %get3A_363 : vector<1x1x16xf32> to vector<16xf32>
        %add3A_365 = arith.addf %add3A_333, %get3A_364 : vector<16xf32>
        %get3A_366 = arith.constant 1 : i32
        %get3A_367 = arith.index_cast %get3A_366 : i32 to index
        %get3A_368 = arith.index_cast %add3A_358 : i32 to index
        %get3A_369 = arith.constant 16 : index
        %get3A_370 = tpu.vector_load %arg6[%get3A_367, %get3A_368, %get3A_369] {strides = array<i32>} : memref<2x200x64xf32, #tpu.memory_space<vmem>>, vector<1x1x16xf32>,
        %get3A_371 = vector.shape_cast %get3A_370 : vector<1x1x16xf32> to vector<16xf32>
        %add3A_372 = arith.addf %add3A_340, %get3A_371 : vector<16xf32>
        %get3A_373 = arith.constant 1 : i32
        %get3A_374 = arith.index_cast %get3A_373 : i32 to index
        %get3A_375 = arith.index_cast %add3A_358 : i32 to index
        %get3A_376 = arith.constant 32 : index
        %get3A_377 = tpu.vector_load %arg6[%get3A_374, %get3A_375, %get3A_376] {strides = array<i32>} : memref<2x200x64xf32, #tpu.memory_space<vmem>>, vector<1x1x16xf32>,
        %get3A_378 = vector.shape_cast %get3A_377 : vector<1x1x16xf32> to vector<16xf32>
        %add3A_379 = arith.addf %add3A_347, %get3A_378 : vector<16xf32>
        %get3A_380 = arith.constant 1 : i32
        %get3A_381 = arith.index_cast %get3A_380 : i32 to index
        %get3A_382 = arith.index_cast %add3A_358 : i32 to index
        %get3A_383 = arith.constant 48 : index
        %get3A_384 = tpu.vector_load %arg6[%get3A_381, %get3A_382, %get3A_383] {strides = array<i32>} : memref<2x200x64xf32, #tpu.memory_space<vmem>>, vector<1x1x16xf32>,
        %get3A_385 = vector.shape_cast %get3A_384 : vector<1x1x16xf32> to vector<16xf32>
        %add3A_386 = arith.addf %add3A_354, %get3A_385 : vector<16xf32>
        %mul3A_387 = arith.constant 8 : i32
        %mul3A_388 = arith.muli %scan3A_223, %mul3A_387 : i32
        %add3A_389 = arith.constant 5 : i32
        %add3A_390 = arith.addi %mul3A_388, %add3A_389 : i32
        %get3A_391 = arith.constant 1 : i32
        %get3A_392 = arith.index_cast %get3A_391 : i32 to index
        %get3A_393 = arith.index_cast %add3A_390 : i32 to index
        %get3A_394 = arith.constant 0 : index
        %get3A_395 = tpu.vector_load %arg6[%get3A_392, %get3A_393, %get3A_394] {strides = array<i32>} : memref<2x200x64xf32, #tpu.memory_space<vmem>>, vector<1x1x16xf32>,
        %get3A_396 = vector.shape_cast %get3A_395 : vector<1x1x16xf32> to vector<16xf32>
        %add3A_397 = arith.addf %add3A_365, %get3A_396 : vector<16xf32>
        %get3A_398 = arith.constant 1 : i32
        %get3A_399 = arith.index_cast %get3A_398 : i32 to index
        %get3A_400 = arith.index_cast %add3A_390 : i32 to index
        %get3A_401 = arith.constant 16 : index
        %get3A_402 = tpu.vector_load %arg6[%get3A_399, %get3A_400, %get3A_401] {strides = array<i32>} : memref<2x200x64xf32, #tpu.memory_space<vmem>>, vector<1x1x16xf32>,
        %get3A_403 = vector.shape_cast %get3A_402 : vector<1x1x16xf32> to vector<16xf32>
        %add3A_404 = arith.addf %add3A_372, %get3A_403 : vector<16xf32>
        %get3A_405 = arith.constant 1 : i32
        %get3A_406 = arith.index_cast %get3A_405 : i32 to index
        %get3A_407 = arith.index_cast %add3A_390 : i32 to index
        %get3A_408 = arith.constant 32 : index
        %get3A_409 = tpu.vector_load %arg6[%get3A_406, %get3A_407, %get3A_408] {strides = array<i32>} : memref<2x200x64xf32, #tpu.memory_space<vmem>>, vector<1x1x16xf32>,
        %get3A_410 = vector.shape_cast %get3A_409 : vector<1x1x16xf32> to vector<16xf32>
        %add3A_411 = arith.addf %add3A_379, %get3A_410 : vector<16xf32>
        %get3A_412 = arith.constant 1 : i32
        %get3A_413 = arith.index_cast %get3A_412 : i32 to index
        %get3A_414 = arith.index_cast %add3A_390 : i32 to index
        %get3A_415 = arith.constant 48 : index
        %get3A_416 = tpu.vector_load %arg6[%get3A_413, %get3A_414, %get3A_415] {strides = array<i32>} : memref<2x200x64xf32, #tpu.memory_space<vmem>>, vector<1x1x16xf32>,
        %get3A_417 = vector.shape_cast %get3A_416 : vector<1x1x16xf32> to vector<16xf32>
        %add3A_418 = arith.addf %add3A_386, %get3A_417 : vector<16xf32>
        %mul3A_419 = arith.constant 8 : i32
        %mul3A_420 = arith.muli %scan3A_223, %mul3A_419 : i32
        %add3A_421 = arith.constant 6 : i32
        %add3A_422 = arith.addi %mul3A_420, %add3A_421 : i32
        %get3A_423 = arith.constant 1 : i32
        %get3A_424 = arith.index_cast %get3A_423 : i32 to index
        %get3A_425 = arith.index_cast %add3A_422 : i32 to index
        %get3A_426 = arith.constant 0 : index
        %get3A_427 = tpu.vector_load %arg6[%get3A_424, %get3A_425, %get3A_426] {strides = array<i32>} : memref<2x200x64xf32, #tpu.memory_space<vmem>>, vector<1x1x16xf32>,
        %get3A_428 = vector.shape_cast %get3A_427 : vector<1x1x16xf32> to vector<16xf32>
        %add3A_429 = arith.addf %add3A_397, %get3A_428 : vector<16xf32>
        %get3A_430 = arith.constant 1 : i32
        %get3A_431 = arith.index_cast %get3A_430 : i32 to index
        %get3A_432 = arith.index_cast %add3A_422 : i32 to index
        %get3A_433 = arith.constant 16 : index
        %get3A_434 = tpu.vector_load %arg6[%get3A_431, %get3A_432, %get3A_433] {strides = array<i32>} : memref<2x200x64xf32, #tpu.memory_space<vmem>>, vector<1x1x16xf32>,
        %get3A_435 = vector.shape_cast %get3A_434 : vector<1x1x16xf32> to vector<16xf32>
        %add3A_436 = arith.addf %add3A_404, %get3A_435 : vector<16xf32>
        %get3A_437 = arith.constant 1 : i32
        %get3A_438 = arith.index_cast %get3A_437 : i32 to index
        %get3A_439 = arith.index_cast %add3A_422 : i32 to index
        %get3A_440 = arith.constant 32 : index
        %get3A_441 = tpu.vector_load %arg6[%get3A_438, %get3A_439, %get3A_440] {strides = array<i32>} : memref<2x200x64xf32, #tpu.memory_space<vmem>>, vector<1x1x16xf32>,
        %get3A_442 = vector.shape_cast %get3A_441 : vector<1x1x16xf32> to vector<16xf32>
        %add3A_443 = arith.addf %add3A_411, %get3A_442 : vector<16xf32>
        %get3A_444 = arith.constant 1 : i32
        %get3A_445 = arith.index_cast %get3A_444 : i32 to index
        %get3A_446 = arith.index_cast %add3A_422 : i32 to index
        %get3A_447 = arith.constant 48 : index
        %get3A_448 = tpu.vector_load %arg6[%get3A_445, %get3A_446, %get3A_447] {strides = array<i32>} : memref<2x200x64xf32, #tpu.memory_space<vmem>>, vector<1x1x16xf32>,
        %get3A_449 = vector.shape_cast %get3A_448 : vector<1x1x16xf32> to vector<16xf32>
        %add3A_450 = arith.addf %add3A_418, %get3A_449 : vector<16xf32>
        %mul3A_451 = arith.constant 8 : i32
        %mul3A_452 = arith.muli %scan3A_223, %mul3A_451 : i32
        %add3A_453 = arith.constant 7 : i32
        %add3A_454 = arith.addi %mul3A_452, %add3A_453 : i32
        %get3A_455 = arith.constant 1 : i32
        %get3A_456 = arith.index_cast %get3A_455 : i32 to index
        %get3A_457 = arith.index_cast %add3A_454 : i32 to index
        %get3A_458 = arith.constant 0 : index
        %get3A_459 = tpu.vector_load %arg6[%get3A_456, %get3A_457, %get3A_458] {strides = array<i32>} : memref<2x200x64xf32, #tpu.memory_space<vmem>>, vector<1x1x16xf32>,
        %get3A_460 = vector.shape_cast %get3A_459 : vector<1x1x16xf32> to vector<16xf32>
        %add3A_461 = arith.addf %add3A_429, %get3A_460 : vector<16xf32>
        %get3A_462 = arith.constant 1 : i32
        %get3A_463 = arith.index_cast %get3A_462 : i32 to index
        %get3A_464 = arith.index_cast %add3A_454 : i32 to index
        %get3A_465 = arith.constant 16 : index
        %get3A_466 = tpu.vector_load %arg6[%get3A_463, %get3A_464, %get3A_465] {strides = array<i32>} : memref<2x200x64xf32, #tpu.memory_space<vmem>>, vector<1x1x16xf32>,
        %get3A_467 = vector.shape_cast %get3A_466 : vector<1x1x16xf32> to vector<16xf32>
        %add3A_468 = arith.addf %add3A_436, %get3A_467 : vector<16xf32>
        %get3A_469 = arith.constant 1 : i32
        %get3A_470 = arith.index_cast %get3A_469 : i32 to index
        %get3A_471 = arith.index_cast %add3A_454 : i32 to index
        %get3A_472 = arith.constant 32 : index
        %get3A_473 = tpu.vector_load %arg6[%get3A_470, %get3A_471, %get3A_472] {strides = array<i32>} : memref<2x200x64xf32, #tpu.memory_space<vmem>>, vector<1x1x16xf32>,
        %get3A_474 = vector.shape_cast %get3A_473 : vector<1x1x16xf32> to vector<16xf32>
        %add3A_475 = arith.addf %add3A_443, %get3A_474 : vector<16xf32>
        %get3A_476 = arith.constant 1 : i32
        %get3A_477 = arith.index_cast %get3A_476 : i32 to index
        %get3A_478 = arith.index_cast %add3A_454 : i32 to index
        %get3A_479 = arith.constant 48 : index
        %get3A_480 = tpu.vector_load %arg6[%get3A_477, %get3A_478, %get3A_479] {strides = array<i32>} : memref<2x200x64xf32, #tpu.memory_space<vmem>>, vector<1x1x16xf32>,
        %get3A_481 = vector.shape_cast %get3A_480 : vector<1x1x16xf32> to vector<16xf32>
        %add3A_482 = arith.addf %add3A_450, %get3A_481 : vector<16xf32>
        scf.yield %add3A_461, %add3A_468, %add3A_475, %add3A_482 : vector<16xf32>, vector<16xf32>, vector<16xf32>, vector<16xf32>
      }
      %scan3A_190 = arith.constant 25 : i32
      %mul3A_191 = arith.constant 5.000000e-03 : f32
      %mul3A_192 = vector.broadcast %mul3A_191 : f32 to vector<16xf32>
      %mul3A_193 = arith.mulf %scan3A_189#0, %mul3A_192 : vector<16xf32>
      %swap3A_194 = arith.index_cast %add3A_176 : i32 to index
      %swap3A_195 = arith.constant 0 : index
      %swap3A_196 = tpu.vector_load %arg7[%swap3A_194, %swap3A_195] {strides = array<i32>} : memref<128x64xf32, #tpu.memory_space<vmem>>, vector<1x16xf32>,
      %swap3A_197 = vector.shape_cast %swap3A_196 : vector<1x16xf32> to vector<16xf32>
      %swap3A_198 = vector.shape_cast %mul3A_193 : vector<16xf32> to vector<1x16xf32>
      tpu.vector_store %arg7[%swap3A_194, %swap3A_195], %swap3A_198 {strides = array<i32>} : memref<128x64xf32, #tpu.memory_space<vmem>>, vector<1x16xf32>,
      %mul3A_199 = arith.constant 5.000000e-03 : f32
      %mul3A_200 = vector.broadcast %mul3A_199 : f32 to vector<16xf32>
      %mul3A_201 = arith.mulf %scan3A_189#1, %mul3A_200 : vector<16xf32>
      %swap3A_202 = arith.index_cast %add3A_176 : i32 to index
      %swap3A_203 = arith.constant 16 : index
      %swap3A_204 = tpu.vector_load %arg7[%swap3A_202, %swap3A_203] {strides = array<i32>} : memref<128x64xf32, #tpu.memory_space<vmem>>, vector<1x16xf32>,
      %swap3A_205 = vector.shape_cast %swap3A_204 : vector<1x16xf32> to vector<16xf32>
      %swap3A_206 = vector.shape_cast %mul3A_201 : vector<16xf32> to vector<1x16xf32>
      tpu.vector_store %arg7[%swap3A_202, %swap3A_203], %swap3A_206 {strides = array<i32>} : memref<128x64xf32, #tpu.memory_space<vmem>>, vector<1x16xf32>,
      %mul3A_207 = arith.constant 5.000000e-03 : f32
      %mul3A_208 = vector.broadcast %mul3A_207 : f32 to vector<16xf32>
      %mul3A_209 = arith.mulf %scan3A_189#2, %mul3A_208 : vector<16xf32>
      %swap3A_210 = arith.index_cast %add3A_176 : i32 to index
      %swap3A_211 = arith.constant 32 : index
      %swap3A_212 = tpu.vector_load %arg7[%swap3A_210, %swap3A_211] {strides = array<i32>} : memref<128x64xf32, #tpu.memory_space<vmem>>, vector<1x16xf32>,
      %swap3A_213 = vector.shape_cast %swap3A_212 : vector<1x16xf32> to vector<16xf32>
      %swap3A_214 = vector.shape_cast %mul3A_209 : vector<16xf32> to vector<1x16xf32>
      tpu.vector_store %arg7[%swap3A_210, %swap3A_211], %swap3A_214 {strides = array<i32>} : memref<128x64xf32, #tpu.memory_space<vmem>>, vector<1x16xf32>,
      %mul3A_215 = arith.constant 5.000000e-03 : f32
      %mul3A_216 = vector.broadcast %mul3A_215 : f32 to vector<16xf32>
      %mul3A_217 = arith.mulf %scan3A_189#3, %mul3A_216 : vector<16xf32>
      %swap3A_218 = arith.index_cast %add3A_176 : i32 to index
      %swap3A_219 = arith.constant 48 : index
      %swap3A_220 = tpu.vector_load %arg7[%swap3A_218, %swap3A_219] {strides = array<i32>} : memref<128x64xf32, #tpu.memory_space<vmem>>, vector<1x16xf32>,
      %swap3A_221 = vector.shape_cast %swap3A_220 : vector<1x16xf32> to vector<16xf32>
      %swap3A_222 = vector.shape_cast %mul3A_217 : vector<16xf32> to vector<1x16xf32>
      tpu.vector_store %arg7[%swap3A_218, %swap3A_219], %swap3A_222 {strides = array<i32>} : memref<128x64xf32, #tpu.memory_space<vmem>>, vector<1x16xf32>,
    }
    %scan3A_36 = arith.constant 64 : i32
    "tpu.region"() ({
      %run_scoped3A = tpu.sem_alloc : memref<!tpu.dma_semaphore, #tpu.memory_space<semaphore_mem>>
      %dma_start3A_37 = arith.constant 0 : i32
      %dma_start3A_38 = tpu.memref_slice %arg4[%mul3A_2, %dma_start3A_37] : memref<4096x64xf32, #tpu.memory_space<hbm>> -> memref<128x64xf32, #tpu.memory_space<hbm>>
      %dma_start3A_39 = arith.constant 0 : i32
      %dma_start3A_40 = tpu.memref_slice %arg4[%mul3A_2, %dma_start3A_39] : memref<4096x64xf32, #tpu.memory_space<hbm>> -> memref<128x64xf32, #tpu.memory_space<hbm>>
      tpu.enqueue_dma source(%arg7 : memref<128x64xf32, #tpu.memory_space<vmem>>) target(%dma_start3A_40 : memref<128x64xf32, #tpu.memory_space<hbm>>) target_semaphore(%run_scoped3A : memref<!tpu.dma_semaphore, #tpu.memory_space<semaphore_mem>>)
      %dma_wait3A = arith.constant 0 : i32
      %dma_wait3A_41 = tpu.memref_slice %arg4[%mul3A_2, %dma_wait3A] : memref<4096x64xf32, #tpu.memory_space<hbm>> -> memref<128x64xf32, #tpu.memory_space<hbm>>
      %dma_wait3A_42 = arith.constant 0 : i32
      %dma_wait3A_43 = tpu.memref_slice %arg4[%mul3A_2, %dma_wait3A_42] : memref<4096x64xf32, #tpu.memory_space<hbm>> -> memref<128x64xf32, #tpu.memory_space<hbm>>
      tpu.wait_dma2 semaphore(%run_scoped3A : memref<!tpu.dma_semaphore, #tpu.memory_space<semaphore_mem>>) src(%arg7 : memref<128x64xf32, #tpu.memory_space<vmem>>) dst(%dma_wait3A_43 : memref<128x64xf32, #tpu.memory_space<hbm>>)
      tpu.yield
    }) : () -> ()
    return
  }
}

module attributes {stable_mosaic.version = 14 : i64} {
  func.func @_relayout_body(%arg0: i32, %arg1: memref<64x4096xf32, #tpu.memory_space<vmem>>, %arg2: memref<2048x128xf32, #tpu.memory_space<vmem>>) attributes {dimension_semantics = [#tpu.dimension_semantics<arbitrary>], iteration_bounds = array<i64: 245>, scalar_prefetch = 0 : i64, scratch_operands = 0 : i64, tpu.core_type = #tpu.core_type<tc>, window_params = [{transform_indices = @transform_0, window_bounds = array<i64: 64, 4096>}, {transform_indices = @transform_1, window_bounds = array<i64: 2048, 128>}]} {
    %get3A = arith.constant 0 : index
    %get3A_0 = arith.constant 0 : index
    %get3A_1 = vector.load %arg1[%get3A, %get3A_0] : memref<64x4096xf32, #tpu.memory_space<vmem>>, vector<64x4096xf32>
    %convert_element_type3A = arith.truncf %get3A_1 : vector<64x4096xf32> to vector<64x4096xbf16>
    %iota3A = tpu.iota {dimensions = array<i32: 0>} : vector<64x64xi32>
    %iota3A_2 = tpu.iota {dimensions = array<i32: 1>} : vector<64x64xi32>
    %add3A = arith.constant 0 : i32
    %add3A_3 = vector.broadcast %add3A : i32 to vector<64x64xi32>
    %add3A_4 = arith.addi %iota3A, %add3A_3 : vector<64x64xi32>
    %eq3A = arith.cmpi eq, %add3A_4, %iota3A_2 : vector<64x64xi32>
    %convert_element_type3A_5 = arith.extui %eq3A : vector<64x64xi1> to vector<64x64xi32>
    %convert_element_type3A_6 = arith.sitofp %convert_element_type3A_5 : vector<64x64xi32> to vector<64x64xf32>
    %convert_element_type3A_7 = arith.truncf %convert_element_type3A_6 : vector<64x64xf32> to vector<64x64xbf16>
    %dot_general3A = arith.constant dense<0.000000e+00> : vector<4096x64xf32>
    %dot_general3A_8 = tpu.matmul %convert_element_type3A, %convert_element_type3A_7, %dot_general3A {dimension_numbers = #tpu.dot_dimension_numbers<[0], [0], [1], [1], [0, 1, 1, 1], [], []>, transpose_lhs_hint = false} : vector<64x4096xbf16>, vector<64x64xbf16>, vector<4096x64xf32> -> vector<4096x64xf32>
    %reshape3A = vector.shape_cast %dot_general3A_8 : vector<4096x64xf32> to vector<2048x2x64xf32>
    %slice3A = vector.extract_strided_slice %reshape3A {offsets = [0, 0, 0], sizes = [2048, 1, 64], strides = [1, 1, 1]} : vector<2048x2x64xf32> to vector<2048x1x64xf32>
    %squeeze3A = vector.shape_cast %slice3A : vector<2048x1x64xf32> to vector<2048x64xf32>
    %swap3A = arith.constant 0 : index
    %swap3A_9 = arith.constant 0 : index
    %swap3A_10 = vector.load %arg2[%swap3A, %swap3A_9] : memref<2048x128xf32, #tpu.memory_space<vmem>>, vector<2048x64xf32>
    tpu.vector_store %arg2[%swap3A, %swap3A_9], %squeeze3A {strides = array<i32>} : memref<2048x128xf32, #tpu.memory_space<vmem>>, vector<2048x64xf32>,
    %slice3A_11 = vector.extract_strided_slice %reshape3A {offsets = [0, 1, 0], sizes = [2048, 1, 64], strides = [1, 1, 1]} : vector<2048x2x64xf32> to vector<2048x1x64xf32>
    %squeeze3A_12 = vector.shape_cast %slice3A_11 : vector<2048x1x64xf32> to vector<2048x64xf32>
    %swap3A_13 = arith.constant 0 : index
    %swap3A_14 = arith.constant 64 : index
    %swap3A_15 = vector.load %arg2[%swap3A_13, %swap3A_14] : memref<2048x128xf32, #tpu.memory_space<vmem>>, vector<2048x64xf32>
    tpu.vector_store %arg2[%swap3A_13, %swap3A_14], %squeeze3A_12 {strides = array<i32>} : memref<2048x128xf32, #tpu.memory_space<vmem>>, vector<2048x64xf32>,
    return
  }
  func.func @transform_0(%arg0: i32) -> (i32, i32) {
    %c0_i32 = arith.constant 0 : i32
    %c0_i32_0 = arith.constant 0 : i32
    return %c0_i32, %arg0 : i32, i32
  }
  func.func @transform_1(%arg0: i32) -> (i32, i32) {
    %c0_i32 = arith.constant 0 : i32
    %c0_i32_0 = arith.constant 0 : i32
    return %arg0, %c0_i32 : i32, i32
  }
}

</mosaic_0001>

<sc_bundles>
// kernel: kernel.4.cloned.1.call-start
scs
__scs_entry_jumppad:
0x0: {  	(pc) =	sbr.rel $0x88, $3  }
0x1: {  	(tag) =	ssettag $0x0;
	lr =	simm.s32 $0x1  }
0x2: {  	[smem:$0x3F9F] =	sst lr;
	_ =	strace $0xD0000000  }
0x3: {  	_ = 	snop  }
0x4: {  	_ = 	snop  }
0x5: {  	_ = 	snop  }
0x6: {  	_ = 	snop  }
0x7: {  	_ = 	snop  }
__scs_overlays_trampoline_lowered:
0x8: {  	[smem:$0x3FAE] =	sst s0  }
0x9: {  	[smem:$0x3FAF] =	sst s1  }
0xa: {  	[smem:$0x3FB0] =	sst s2  }
0xb: {  	[smem:$0x3FB1] =	sst s3  }
0xc: {  	[smem:$0x3FB2] =	sst s4  }
0xd: {  	[smem:$0x3FB3] =	sst s5  }
0xe: {  	[smem:$0x3FB4] =	sst s6  }
0xf: {  	[smem:$0x3FB5] =	sst s7  }
0x10: {  	[smem:$0x3FB6] =	sst s8  }
0x11: {  	[smem:$0x3FB7] =	sst s9;
	s0 =	simm.s32 @!p0 $0x0  }
0x12: {  	s1 =	sld [smem:$0x3F9D];
	s0 =	simm.s32 @p0 $0x1  }
0x13: {  	[smem:$0x3FB8] =	sst s0;
	s0 =	simm.s32 @!p1 $0x0  }
0x14: {  	s2 =	sld [smem:$0x3F9C];
	s0 =	simm.s32 @p1 $0x1  }
0x15: {  	[smem:$0x3FB9] =	sst s0;
	s0 =	simm.s32 @!p2 $0x0  }
0x16: {  	s3 =	sld [smem:$0x3FDB];
	s0 =	simm.s32 @p2 $0x1  }
0x17: {  	s4 =	simm.s32 $0x1BF5;
	[smem:$0x3FBB] =	sst s0  }
0x18: {  	s0 =	sld [smem:$0x3F9E];
	_ =	swait.ge [sflag:s4], $0x0  }
0x19: {  	s7 =	sld [smem:$0x3F9F]  }
0x1a: {  	s8 =	sadd.s32 $0xFFFFE003, lr  }
0x1b: {  	s9 =	sadd.s32 $0xFFFFFEF7, lr;
	s5 =	simm.s32 $0xFFFFFFFF;
	p2 =	slt.u32 s8, $0xFFFFF086  }
0x1c: {  	p1 =	slt.u32 s9, $0xF7A;
	s5 =	simm.s32 @!p2 $0x0  }
0x1d: {  	s5 =	simm.s32 @p1 $0x1;
	p0 =	seq.s32 s7, s2  }
0x1e: {  	s7 =	smul.u32 @!p0 $0xF7A, s2;
	p2 =	seq.s32 @!p0 s5, $0x0  }
0x1f: {  	s9 =	smul.u32 $0xF7A, s1;
	s8 =	simm.s32 @!p0 $0x1BF5;
	p2 =	por !p2, p0  }
0x20: {  	[sflag:s8] =	ssyncset.s32 @!p0 $0xFFFFF086;
	s6 =	sadd.s32 @!p0 s3, s7;
	s7 =	simm.s32 @!p0 $0x108  }
0x21: {  	s3 =	sadd.s32 s3, s9;
	s6 =	sadd.s32 @!p0 $0x88, s6;
	s7 =	simm.s32 @p2 $0x1082  }
0x22: {  	[simem:s7], [sflag:s8] =	dma.local @!p0 [hbm:s6], $0xF7A  }
0x23: {  	s9 =	sor.u32 $0xD0000000, s2;
	s6 =	simm.s32 $0x108;
	_ =	swait.ge @!p0 [sflag:s8], $0x0  }
0x24: {  	s3 =	sadd.s32 $0x88, s3;
	s6 =	simm.s32 @!p1 $0x1082;
	[sflag:s4] =	ssyncset.s32 $0xFFFFF086  }
0x25: {  	[simem:s6], [sflag:s4] =	dma.local [hbm:s3], $0xF7A  }
0x26: {  	[smem:$0x3F9F] =	sst s1;
	(tag) =	ssettag s2;
	_ =	strace s9  }
0x27: {  	s1 =	sld [smem:$0x3FAF]  }
0x28: {  	s2 =	sld [smem:$0x3FB0]  }
0x29: {  	s4 =	sld [smem:$0x3FB2]  }
0x2a: {  	p0 =	seq.s32 s5, $0x0;
	s5 =	sld [smem:$0x3FB3]  }
0x2b: {  	s6 =	sld [smem:$0x3FB4]  }
0x2c: {  	s7 =	sld [smem:$0x3FB5]  }
0x2d: {  	s3 =	simm.s32 $0x108;
	s8 =	sld [smem:$0x3FB6]  }
0x2e: {  	s3 =	simm.s32 @!p0 $0x1082;
	s9 =	sld [smem:$0x3FB7]  }
0x2f: {  	lr =	sadd.s32 s0, s3;
	s0 =	sld [smem:$0x3FAE]  }
0x30: {  	s3 =	sld [smem:$0x3FB1]  }
0x31: {  	[smem:$0x3FBA] =	sst s10  }
0x32: {  	s10 =	sld [smem:$0x3FB8];
	_ =	sdelay $0x3  }
0x33: {  	p0 =	seq.s32 s10, $0x1;
	s10 =	sld [smem:$0x3FBA];
	_ =	sdelay $0x3  }
0x34: {  	[smem:$0x3FBA] =	sst s10  }
0x35: {  	s10 =	sld [smem:$0x3FB9];
	_ =	sdelay $0x3  }
0x36: {  	p1 =	seq.s32 s10, $0x1;
	s10 =	sld [smem:$0x3FBA];
	_ =	sdelay $0x3  }
0x37: {  	[smem:$0x3FBA] =	sst s10  }
0x38: {  	s10 =	sld [smem:$0x3FBB]  }
0x39: {  	_ = 	snop;
	(pc) =	sbr.ind lr, $3  }
0x3a: {  	_ = 	snop  }
0x3b: {  	_ = 	snop  }
0x3c: {  	p2 =	seq.s32 s10, $0x1;
	s10 =	sld [smem:$0x3FBA]  }
0x3d: {  	_ =	shalt  }
0x3e: {  	_ =	shalt  }
0x3f: {  	_ =	shalt  }
0x40: {  	_ =	shalt  }
0x41: {  	_ =	shalt  }
0x42: {  	_ =	shalt  }
0x43: {  	_ =	shalt  }
0x44: {  	_ =	shalt  }
0x45: {  	_ =	shalt  }
0x46: {  	_ =	shalt  }
0x47: {  	_ =	shalt  }
0x48: {  	_ =	shalt  }
0x49: {  	_ =	shalt  }
0x4a: {  	_ =	shalt  }
0x4b: {  	_ =	shalt  }
0x4c: {  	_ =	shalt  }
0x4d: {  	_ =	shalt  }
0x4e: {  	_ =	shalt  }
0x4f: {  	_ =	shalt  }
0x50: {  	_ =	shalt  }
0x51: {  	_ =	shalt  }
0x52: {  	_ =	shalt  }
0x53: {  	_ =	shalt  }
0x54: {  	_ =	shalt  }
0x55: {  	_ =	shalt  }
0x56: {  	_ =	shalt  }
0x57: {  	_ =	shalt  }
0x58: {  	_ =	shalt  }
0x59: {  	_ =	shalt  }
0x5a: {  	_ =	shalt  }
0x5b: {  	_ =	shalt  }
0x5c: {  	_ =	shalt  }
0x5d: {  	_ =	shalt  }
0x5e: {  	_ =	shalt  }
0x5f: {  	_ =	shalt  }
0x60: {  	_ =	shalt  }
0x61: {  	_ =	shalt  }
0x62: {  	_ =	shalt  }
0x63: {  	_ =	shalt  }
0x64: {  	_ =	shalt  }
0x65: {  	_ =	shalt  }
0x66: {  	_ =	shalt  }
0x67: {  	_ =	shalt  }
0x68: {  	_ =	shalt  }
0x69: {  	_ =	shalt  }
0x6a: {  	_ =	shalt  }
0x6b: {  	_ =	shalt  }
0x6c: {  	_ =	shalt  }
0x6d: {  	_ =	shalt  }
0x6e: {  	_ =	shalt  }
0x6f: {  	_ =	shalt  }
0x70: {  	_ =	shalt  }
0x71: {  	_ =	shalt  }
0x72: {  	_ =	shalt  }
0x73: {  	_ =	shalt  }
0x74: {  	_ =	shalt  }
0x75: {  	_ =	shalt  }
0x76: {  	_ =	shalt  }
0x77: {  	_ =	shalt  }
0x78: {  	_ =	shalt  }
0x79: {  	_ =	shalt  }
0x7a: {  	_ =	shalt  }
0x7b: {  	_ =	shalt  }
0x7c: {  	_ =	shalt  }
0x7d: {  	_ =	shalt  }
0x7e: {  	_ =	shalt  }
0x7f: {  	_ =	shalt  }
0x80: {  	_ =	shalt  }
0x81: {  	_ =	shalt  }
0x82: {  	_ =	shalt  }
0x83: {  	_ =	shalt  }
0x84: {  	_ =	shalt  }
0x85: {  	_ =	shalt  }
0x86: {  	_ =	shalt  }
0x87: {  	_ =	shalt  }
.Lfunc_end0:
.L_simem_size_0:
called_computation_lowered:
.L_overlay_start_0:
0x88: {  	s2 =	sld [smem:$0x3FD9]  }
0x89: {  	s3 =	sld [smem:$0x3FFE];
	_ =	sdelay $0x1  }
0x8a: {  	s1 =	srdreg.scid  }
0x8b: {  	s0 =	sand.u32 $0x1, s1  }
0x8c: {  	s17 =	sshll.u32 s0, $0xA;
	s2 =	sadd.s32 s3, s2  }
0x8d: {  	s2 =	sadd.s32 s2, s17  }
0x8e: {  	[smem:$0x3FC6] =	sst s2  }
0x8f: {  	_ = 	snop  }
0x90: {  	s2 =	sld [smem:$0x3FD0];
	(tm) =	ssettm $0x1  }
0x91: {  	s18 =	sld [smem:$0x3FFB];
	_ =	sdelay $0x3  }
0x92: {  	_ =	strace s18  }
0x93: {  	s3 =	sld [smem:$0x3FFC];
	_ =	sdelay $0x3  }
0x94: {  	_ =	strace s3  }
0x95: {  	s3 =	sld [smem:$0x3FFD];
	_ =	sdelay $0x3  }
0x96: {  	_ =	strace s3  }
0x97: {  	_ =	strace $0x8FFFFFFF  }
0x98: {  	s19 =	sld [smem:$0x3FDB];
	_ =	sdelay $0x1  }
0x99: {  	s4 =	simm.s32 $_scs_section_size  }
0x9a: {  	s5 =	simm.s32 $_size__tile_overlayer_lowered;
	s6 =	simm.s32 $_tile_overlayer_lowered  }
0x9b: {  	s22 =	simm.s32 $0x1BFF;
	s21 =	sshll.u32 s6, $0x1;
	s3 =	sadd.s32 s4, s19  }
0x9c: {  	s7 =	simm.s32 $0x0;
	s20 =	sshll.u32 s5, $0x1;
	s5 =	sadd.s32 s21, s3  }
0x9d: {  	[timem:s7], [sflag:s22] =	dma.local [hbm:s5], s20  }
0x9e: {  	_ =	swait.ge [sflag:s22], s20  }
0x9f: {  	s4 =	ssub.s32 $0x0, s20;
	[sflag:s22] =	ssyncset.done $0x0  }
0xa0: {  	[sflag:s22] =	ssyncadd.s32 s4;
	_ =	sdelay $0x1  }
0xa1: {  	s23 =	simm.s32 $0x1B8B  }
0xa2: {  	_ =	swait.ge [sflag:s23], $0x1  }
0xa3: {  	[sflag:s23] =	ssyncset.done $0x0  }
0xa4: {  	s25 =	simm.s32 $0x1B8E;
	s24 =	sld [smem:$0x3FFE];
	[sflag:s23] =	ssyncadd.s32 $0xFFFFFFFF  }
0xa5: {  	s26 =	simm.s32 $execute0_lowered;
	[smem:$0x3FD2] =	sst s25  }
0xa6: {  	s5 =	sshll.u32 s26, $0x1;
	_ =	strace $0x80000046;
	[dreg:$0x1] =	wrdreg $0xFFFFFFFF  }
0xa7: {  	s28 =	simm.s32 $_size_execute0_lowered;
	s3 =	sadd.s32 s3, s5;
	[dreg:$0x0] =	wrdreg $0x0  }
0xa8: {  	s5 =	sshll.u32 s28, $0x1;
	[dreg:$0x2] =	wrdreg s3  }
0xa9: {  	[dreg:$0x3] =	wrdreg s5  }
0xaa: {  	[dreg:$0x4] =	wrdreg $0xC0  }
0xab: {  	_ =	task [dreg:s7], $0x5FFFF  }
0xac: {  	[dreg:$0x1] =	wrdreg $0xFFFFFFFF  }
0xad: {  	[dreg:$0x0] =	wrdreg $0x60  }
0xae: {  	[dreg:$0x2] =	wrdreg s24  }
0xaf: {  	[dreg:$0x3] =	wrdreg s2  }
0xb0: {  	[dreg:$0x4] =	wrdreg $0x9  }
0xb1: {  	_ =	task.clear_ibuf [dreg:s7], $0x5FFFF;
	_ =	strace $0x90000046  }
0xb2: {  	s29 =	simm.s32 $0x9;
	_ =	strace $0x80000048  }
0xb3: {  	_ =	swait.ge [sflag:s29], $0x1  }
0xb4: {  	[sflag:s29] =	ssyncadd.s32 $0xFFFFFFFF  }
0xb5: {  	_ =	strace $0x90000048  }
0xb6: {  	_ =	sfence  }
0xb7: {  	s30 =	sld [smem:$0x0];
	_ =	sdelay $0x2  }
0xb8: {  	s31 =	sshll.u32 s1, $0xD;
	s1 =	sshrl.u32 s1, $0x2  }
0xb9: {  	s3 =	sand.u32 $0x4000, s31;
	s1 =	sadd.s32 s1, s30  }
0xba: {  	s0 =	sor.u32 s3, s0;
	s1 =	sshll.u32 s1, $0x11  }
0xbb: {  	s0 =	sor.u32 s1, s0  }
0xbc: {  	s0 =	sadd.s32 $0x8F2B, s0  }
0xbd: {  	[sflag:s0] =	ssyncadd.remote.s32 $0x1  }
0xbe: {  	_ =	sfence.sel $0xFFFF  }
0xbf: {  	[dreg:$0x0] =	wrdreg $0xFFFFFFFF;
	(pc) =	sbr.abs _section_cstart, $3  }
0xc0: {  	[dreg:$0x1] =	wrdreg $0xFFFFFFFF  }
0xc1: {  	_ =	task.clear_ibuf [dreg:s7], $0x2FFFF;
	_ =	strace $0x9FFFFFFF  }
0xc2: {  	(tm) =	ssettm $0x7FFFFFFF  }
0xc3: {  	_ =	shalt  }
tec
execute0_lowered:
.L_overlay_start_1:
0x0: {  	(tag) =	ssettag $0x1  }
0x1: {  	s1 =	srdreg.scid  }
0x2: {  	s0 =	stileid.u32;
	s4 =	rddreg [dreg:$0x0]  }
0x3: {  	s5 =	rddreg [dreg:$0x1];
	s9 =	simm.s32 $0x6400;
	s10 =	simm.s32 $0x48  }
0x4: {  	s11 =	simm.s32 $0x8400;
	s12 =	simm.s32 $0x9600;
	s13 =	simm.s32 $0xB600  }
0x5: {  	s14 =	simm.s32 $0x1;
	s15 =	simm.s32 $0x2;
	s16 =	simm.s32 $0xC800  }
0x6: {  	s17 =	simm.s32 $0x0;
	s3 =	sand.u32 $0x1, s1;
	s30 =	sshll.u32 s0, $0x8  }
0x7: {  	s1 =	rddreg [dreg:$0x2];
	s2 =	sshll.u32 s3, $0x7;
	s8 =	ssub.s32 $0x2, s3  }
0x8: {  	s3 =	sadd.s32 $0x19400, s4;
	s6 =	sor.u32 s2, s30;
	s2 =	simm.s32 $0x0  }
0x9: {  	s31 =	sshrl.u32 s8, $0x1;
	s7 =	smul.u32 $0x19, s6;
	[smem:$0x7FF] =	sst s2  }
0xa: {  	s6 =	sshll.u32 s6, $0x3;
	s8 =	ssub.s32 s8, s31;
	_ =	strace $0x80000047  }
0xb: {  	s5 =	sadd.s32 s5, s6;
	s6 =	smax.u32 s8, $0x1;
	s7 =	sadd.s32 s7, s4  }
0xc: {  	s8 =	simm.s32 $0x80;
	s4 =	sadd.s32 $0x400, s7;
	s7 =	simm.s32 $0x3  }
.LBB2_1:
0xd: {  	[tilespmem:s2], [sflag:$0x3] =	stream.linear.gather [hbm4b:s4+s2], $0x6400, $0x38;
	[tilespmem:$0xE800] =	vst v63  }
0xe: {  	_ =	swait.ge [sflag:s7], $0x6400  }
0xf: {  	[sflag:s7] =	ssyncset.done $0x0  }
0x10: {  	[sflag:s7] =	ssyncadd.s32 $0xFFFF9C00  }
0x11: {  	[tilespmem:s9], [sflag:$0x1] =	stream.indirect.gather [hbm4b:s3+s8], $0x40, s2, s8, $0xb8;
	[tilespmem:$0xE800] =	vst v63  }
0x12: {  	s18 =	simm.s32 $0x0  }
0x13: {  	[tilespmem:s11], [sflag:$0x1] =	stream.indirect.gather [hbm4b:s3+s10], $0x40, s8, s10, $0xb8;
	[tilespmem:$0xE800] =	vst v63  }
.LBB2_2:
0x14: {  	s19 =	sshllo.u32 s18, $0x1  }
0x15: {  	s20 =	smul.u32 $0x320, s19;
	_ =	sdelay $0x1  }
0x16: {  	s20 =	sshra.s32 s20, $0x2  }
0x17: {  	[tilespmem:s12], [sflag:$0x2] =	stream.indirect.gather [hbm4b:s3+s8], $0x40, s20, s8, $0xb8;
	[tilespmem:$0xE800] =	vst v63  }
0x18: {  	s20 =	sadd.s32 $0x80, s20  }
0x19: {  	[tilespmem:s13], [sflag:$0x2] =	stream.indirect.gather [hbm4b:s3+s10], $0x40, s20, s10, $0xb8;
	[tilespmem:$0xE800] =	vst v63  }
0x1a: {  	_ =	swait.ge [sflag:s14], $0x2000  }
0x1b: {  	[sflag:s14] =	ssyncset.done $0x0  }
0x1c: {  	[sflag:s14] =	ssyncadd.s32 $0xFFFFE000  }
0x1d: {  	_ =	swait.ge [sflag:s14], $0x1200  }
0x1e: {  	[sflag:s14] =	ssyncset.done $0x0  }
0x1f: {  	s20 =	simm.s32 $0x0;
	[sflag:s14] =	ssyncadd.s32 $0xFFFFEE00  }
0x20: {  	v0 =	vld [tilespmem:s20+$0x65C0]  }
0x21: {  	v1 =	vld [tilespmem:s20+$0x65D0]  }
0x22: {  	v2 =	vld [tilespmem:s20+$0x6580]  }
0x23: {  	v3 =	vld [tilespmem:s20+$0x6590]  }
0x24: {  	v4 =	vld [tilespmem:s20+$0x6540]  }
0x25: {  	v5 =	vld [tilespmem:s20+$0x6550]  }
0x26: {  	v6 =	vld [tilespmem:s20+$0x6500]  }
0x27: {  	v7 =	vld [tilespmem:s20+$0x6510]  }
0x28: {  	v9 =	vld [tilespmem:s20+$0x64C0]  }
0x29: {  	v8 =	vld [tilespmem:s20+$0x64D0]  }
0x2a: {  	v11 =	vld [tilespmem:s20+$0x6480]  }
0x2b: {  	v10 =	vld [tilespmem:s20+$0x6490]  }
0x2c: {  	v17 =	vld [tilespmem:s20+$0x6440]  }
0x2d: {  	v16 =	vld [tilespmem:s20+$0x6450]  }
0x2e: {  	v19 =	vld [tilespmem:s20+$0x6400]  }
0x2f: {  	v12 =	vimm.f32 $0.0e+00;
	v20 =	vld [tilespmem:s20+$0x6410]  }
0x30: {  	s21 =	simm.s32 $0x800;
	v15 =	vimm.f32 $0.0e+00;
	v14 =	vimm.f32 $0.0e+00;
	v13 =	vimm.f32 $0.0e+00;
	v18 =	vld [tilespmem:s20+$0x6420]  }
.LBB2_3:
0x31: {  	p0 =	sne.s32 s21, $0xC000;
	v21 =	vld [tilespmem:s20+$0x6430]  }
0x32: {  	v22 =	vld [tilespmem:s20+$0x6460]  }
0x33: {  	v23 =	vld [tilespmem:s20+$0x6470]  }
0x34: {  	v24 =	vld [tilespmem:s20+$0x64A0]  }
0x35: {  	v12 =	vadd.f32 v19, v12;
	v15 =	vadd.f32 v20, v15;
	v19 =	vld [tilespmem:s20+$0x64B0]  }
0x36: {  	v14 =	vadd.f32 v18, v14;
	v13 =	vadd.f32 v21, v13;
	v18 =	vld [tilespmem:s20+$0x64E0]  }
0x37: {  	v12 =	vadd.f32 v17, v12;
	v15 =	vadd.f32 v16, v15;
	v16 =	vld [tilespmem:s20+$0x64F0]  }
0x38: {  	v14 =	vadd.f32 v22, v14;
	v13 =	vadd.f32 v23, v13;
	v17 =	vld [tilespmem:s20+$0x6520]  }
0x39: {  	v11 =	vadd.f32 v11, v12;
	v10 =	vadd.f32 v10, v15;
	v12 =	vld [tilespmem:s20+$0x6530]  }
0x3a: {  	v14 =	vadd.f32 v24, v14;
	v13 =	vadd.f32 v19, v13;
	v15 =	vld [tilespmem:s20+$0x6560]  }
0x3b: {  	v9 =	vadd.f32 v9, v11;
	v8 =	vadd.f32 v8, v10;
	v10 =	vld [tilespmem:s20+$0x6570]  }
0x3c: {  	v11 =	vadd.f32 v18, v14;
	v13 =	vadd.f32 v16, v13;
	v14 =	vld [tilespmem:s20+$0x65A0]  }
0x3d: {  	v6 =	vadd.f32 v6, v9;
	v7 =	vadd.f32 v7, v8;
	v8 =	vld [tilespmem:s20+$0x65B0]  }
0x3e: {  	v9 =	vadd.f32 v17, v11;
	v11 =	vadd.f32 v12, v13;
	v13 =	vld [tilespmem:s20+$0x65E0]  }
0x3f: {  	v4 =	vadd.f32 v4, v6;
	v5 =	vadd.f32 v5, v7;
	v6 =	vld [tilespmem:s20+$0x65F0];
	s20 =	sshra.s32 s21, $0x2  }
0x40: {  	v9 =	vadd.f32 v15, v9;
	v7 =	vld [tilespmem:s20+$0x65C0];
	v10 =	vadd.f32 v10, v11  }
0x41: {  	v4 =	vadd.f32 v2, v4;
	v5 =	vadd.f32 v3, v5;
	v11 =	vld [tilespmem:s20+$0x65D0]  }
0x42: {  	v9 =	vadd.f32 v14, v9;
	v2 =	vld [tilespmem:s20+$0x6580];
	v8 =	vadd.f32 v8, v10  }
0x43: {  	v12 =	vadd.f32 v0, v4;
	v15 =	vadd.f32 v1, v5;
	v3 =	vld [tilespmem:s20+$0x6590]  }
0x44: {  	v14 =	vadd.f32 v13, v9;
	v4 =	vld [tilespmem:s20+$0x6540];
	v13 =	vadd.f32 v6, v8  }
0x45: {  	v5 =	vld [tilespmem:s20+$0x6550];
	v0 =	vmov v7  }
0x46: {  	v6 =	vld [tilespmem:s20+$0x6500];
	v1 =	vmov v11  }
0x47: {  	v7 =	vld [tilespmem:s20+$0x6510]  }
0x48: {  	v9 =	vld [tilespmem:s20+$0x64C0]  }
0x49: {  	v8 =	vld [tilespmem:s20+$0x64D0]  }
0x4a: {  	v11 =	vld [tilespmem:s20+$0x6480]  }
0x4b: {  	v10 =	vld [tilespmem:s20+$0x6490]  }
.Ltmp0:
0x4c: {  	v17 =	vld [tilespmem:s20+$0x6440];
	(pc) =	sbr.rel @p0 .LBB2_3-.Ltmp0, $4  }
0x4d: {  	v16 =	vld [tilespmem:s20+$0x6450]  }
0x4e: {  	v19 =	vld [tilespmem:s20+$0x6400]  }
0x4f: {  	v20 =	vld [tilespmem:s20+$0x6410]  }
0x50: {  	s21 =	sadd.s32 $0x800, s21;
	v18 =	vld [tilespmem:s20+$0x6420]  }
0x51: {  	v21 =	vld [tilespmem:s20+$0x6430]  }
0x52: {  	v22 =	vld [tilespmem:s20+$0x6460]  }
0x53: {  	v23 =	vld [tilespmem:s20+$0x6470];
	v12 =	vadd.f32 v19, v12  }
0x54: {  	v19 =	vld [tilespmem:s20+$0x64A0];
	v15 =	vadd.f32 v20, v15  }
0x55: {  	v20 =	vld [tilespmem:s20+$0x64B0];
	v14 =	vadd.f32 v18, v14;
	v12 =	vadd.f32 v17, v12  }
0x56: {  	v17 =	vld [tilespmem:s20+$0x64E0];
	v13 =	vadd.f32 v21, v13;
	v15 =	vadd.f32 v16, v15  }
0x57: {  	v16 =	vld [tilespmem:s20+$0x64F0];
	v14 =	vadd.f32 v22, v14;
	v11 =	vadd.f32 v11, v12  }
0x58: {  	v12 =	vadd.f32 v23, v13;
	v13 =	vld [tilespmem:s20+$0x6520];
	v10 =	vadd.f32 v10, v15  }
0x59: {  	v15 =	vld [tilespmem:s20+$0x6530];
	v14 =	vadd.f32 v19, v14;
	v9 =	vadd.f32 v9, v11  }
0x5a: {  	v11 =	vadd.f32 v20, v12;
	v12 =	vld [tilespmem:s20+$0x6560];
	v8 =	vadd.f32 v8, v10  }
0x5b: {  	v10 =	vld [tilespmem:s20+$0x6570];
	v14 =	vadd.f32 v17, v14;
	v6 =	vadd.f32 v6, v9  }
0x5c: {  	v9 =	vadd.f32 v16, v11;
	v11 =	vld [tilespmem:s20+$0x65A0];
	v7 =	vadd.f32 v7, v8  }
0x5d: {  	v8 =	vld [tilespmem:s20+$0x65B0];
	v13 =	vadd.f32 v13, v14;
	v4 =	vadd.f32 v4, v6  }
0x5e: {  	v6 =	vadd.f32 v15, v9;
	v9 =	vld [tilespmem:s20+$0x65E0];
	v5 =	vadd.f32 v5, v7  }
0x5f: {  	v7 =	vld [tilespmem:s20+$0x65F0];
	v12 =	vadd.f32 v12, v13;
	v2 =	vadd.f32 v2, v4  }
0x60: {  	v4 =	vadd.f32 v10, v6;
	v3 =	vadd.f32 v3, v5  }
0x61: {  	v5 =	vadd.f32 v11, v12;
	v0 =	vadd.f32 v0, v2  }
0x62: {  	v2 =	vadd.f32 v8, v4;
	v1 =	vadd.f32 v1, v3  }
0x63: {  	s31 =	sshll.u32 s18, $0x7;
	v3 =	vadd.f32 v9, v5;
	v0 =	vmul.f32 $4.999999890e-03, v0  }
0x64: {  	p0 =	seq.s32 s18, $0x3F;
	s20 =	sand.u32 $0x3FFFFF80, s31;
	v2 =	vadd.f32 v7, v2;
	v1 =	vmul.f32 $4.999999890e-03, v1  }
0x65: {  	s21 =	smul.u32 @!p0 $0x640, s18;
	[tilespmem:s20+$0xC800] =	vst v0;
	v0 =	vmul.f32 $4.999999890e-03, v3  }
0x66: {  	[tilespmem:s20+$0xC810] =	vst v1;
	v1 =	vmul.f32 $4.999999890e-03, v2  }
0x67: {  	s21 =	sshra.s32 @!p0 s21, $0x2;
	[tilespmem:s20+$0xC820] =	vst v0  }
0x68: {  	s22 =	simm.s32 @!p0 $0x80;
	s23 =	simm.s32 @!p0 $0x6400;
	[tilespmem:s20+$0xC830] =	vst v1;
	s20 =	sadd.s32 @!p0 $0x190, s21  }
0x69: {  	[tilespmem:s23], [sflag:$0x1] =	stream.indirect.gather @!p0 [hbm4b:s3+s22], $0x40, s20, s22, $0xb8;
	[tilespmem:$0xE800] =	vst v63  }
0x6a: {  	s20 =	sadd.s32 @!p0 $0x210, s21;
	s21 =	simm.s32 @!p0 $0x48;
	s22 =	simm.s32 @!p0 $0x8400  }
0x6b: {  	[tilespmem:s22], [sflag:$0x1] =	stream.indirect.gather @!p0 [hbm4b:s3+s21], $0x40, s20, s21, $0xb8;
	[tilespmem:$0xE800] =	vst v63  }
0x6c: {  	_ =	swait.ge [sflag:s15], $0x2000  }
0x6d: {  	[sflag:s15] =	ssyncset.done $0x0  }
0x6e: {  	[sflag:s15] =	ssyncadd.s32 $0xFFFFE000  }
0x6f: {  	_ =	swait.ge [sflag:s15], $0x1200  }
0x70: {  	[sflag:s15] =	ssyncset.done $0x0  }
0x71: {  	s20 =	simm.s32 $0x0;
	[sflag:s15] =	ssyncadd.s32 $0xFFFFEE00  }
0x72: {  	v0 =	vld [tilespmem:s20+$0x97C0]  }
0x73: {  	v1 =	vld [tilespmem:s20+$0x97D0]  }
0x74: {  	v2 =	vld [tilespmem:s20+$0x9780]  }
0x75: {  	v3 =	vld [tilespmem:s20+$0x9790]  }
0x76: {  	v4 =	vld [tilespmem:s20+$0x9740]  }
0x77: {  	v5 =	vld [tilespmem:s20+$0x9750]  }
0x78: {  	v6 =	vld [tilespmem:s20+$0x9700]  }
0x79: {  	v7 =	vld [tilespmem:s20+$0x9710]  }
0x7a: {  	v9 =	vld [tilespmem:s20+$0x96C0]  }
0x7b: {  	v8 =	vld [tilespmem:s20+$0x96D0]  }
0x7c: {  	v11 =	vld [tilespmem:s20+$0x9680]  }
0x7d: {  	v10 =	vld [tilespmem:s20+$0x9690]  }
0x7e: {  	v17 =	vld [tilespmem:s20+$0x9640]  }
0x7f: {  	v16 =	vld [tilespmem:s20+$0x9650]  }
0x80: {  	v19 =	vld [tilespmem:s20+$0x9600]  }
0x81: {  	v14 =	vimm.f32 $0.0e+00;
	v20 =	vld [tilespmem:s20+$0x9610]  }
0x82: {  	v15 =	vimm.f32 $0.0e+00;
	v13 =	vimm.f32 $0.0e+00;
	v12 =	vimm.f32 $0.0e+00;
	s21 =	simm.s32 $0x800;
	v18 =	vld [tilespmem:s20+$0x9620]  }
.LBB2_5:
0x83: {  	p0 =	sne.s32 s21, $0xC000;
	v21 =	vld [tilespmem:s20+$0x9630]  }
0x84: {  	v22 =	vld [tilespmem:s20+$0x9660]  }
0x85: {  	v23 =	vld [tilespmem:s20+$0x9670]  }
0x86: {  	v24 =	vld [tilespmem:s20+$0x96A0]  }
0x87: {  	v12 =	vadd.f32 v19, v12;
	v15 =	vadd.f32 v20, v15;
	v19 =	vld [tilespmem:s20+$0x96B0]  }
0x88: {  	v14 =	vadd.f32 v18, v14;
	v13 =	vadd.f32 v21, v13;
	v18 =	vld [tilespmem:s20+$0x96E0]  }
0x89: {  	v12 =	vadd.f32 v17, v12;
	v15 =	vadd.f32 v16, v15;
	v16 =	vld [tilespmem:s20+$0x96F0]  }
0x8a: {  	v14 =	vadd.f32 v22, v14;
	v13 =	vadd.f32 v23, v13;
	v17 =	vld [tilespmem:s20+$0x9720]  }
0x8b: {  	v11 =	vadd.f32 v11, v12;
	v10 =	vadd.f32 v10, v15;
	v12 =	vld [tilespmem:s20+$0x9730]  }
0x8c: {  	v14 =	vadd.f32 v24, v14;
	v13 =	vadd.f32 v19, v13;
	v15 =	vld [tilespmem:s20+$0x9760]  }
0x8d: {  	v9 =	vadd.f32 v9, v11;
	v8 =	vadd.f32 v8, v10;
	v10 =	vld [tilespmem:s20+$0x9770]  }
0x8e: {  	v11 =	vadd.f32 v18, v14;
	v13 =	vadd.f32 v16, v13;
	v14 =	vld [tilespmem:s20+$0x97A0]  }
0x8f: {  	v6 =	vadd.f32 v6, v9;
	v7 =	vadd.f32 v7, v8;
	v8 =	vld [tilespmem:s20+$0x97B0]  }
0x90: {  	v9 =	vadd.f32 v17, v11;
	v11 =	vadd.f32 v12, v13;
	v13 =	vld [tilespmem:s20+$0x97E0]  }
0x91: {  	v4 =	vadd.f32 v4, v6;
	v5 =	vadd.f32 v5, v7;
	v6 =	vld [tilespmem:s20+$0x97F0];
	s20 =	sshra.s32 s21, $0x2  }
0x92: {  	v9 =	vadd.f32 v15, v9;
	v7 =	vld [tilespmem:s20+$0x97C0];
	v10 =	vadd.f32 v10, v11  }
0x93: {  	v4 =	vadd.f32 v2, v4;
	v5 =	vadd.f32 v3, v5;
	v11 =	vld [tilespmem:s20+$0x97D0]  }
0x94: {  	v9 =	vadd.f32 v14, v9;
	v2 =	vld [tilespmem:s20+$0x9780];
	v8 =	vadd.f32 v8, v10  }
0x95: {  	v12 =	vadd.f32 v0, v4;
	v15 =	vadd.f32 v1, v5;
	v3 =	vld [tilespmem:s20+$0x9790]  }
0x96: {  	v14 =	vadd.f32 v13, v9;
	v4 =	vld [tilespmem:s20+$0x9740];
	v13 =	vadd.f32 v6, v8  }
0x97: {  	v5 =	vld [tilespmem:s20+$0x9750];
	v0 =	vmov v7  }
0x98: {  	v6 =	vld [tilespmem:s20+$0x9700];
	v1 =	vmov v11  }
0x99: {  	v7 =	vld [tilespmem:s20+$0x9710]  }
0x9a: {  	v9 =	vld [tilespmem:s20+$0x96C0]  }
0x9b: {  	v8 =	vld [tilespmem:s20+$0x96D0]  }
0x9c: {  	v11 =	vld [tilespmem:s20+$0x9680]  }
0x9d: {  	v10 =	vld [tilespmem:s20+$0x9690]  }
.Ltmp1:
0x9e: {  	v17 =	vld [tilespmem:s20+$0x9640];
	(pc) =	sbr.rel @p0 .LBB2_5-.Ltmp1, $4  }
0x9f: {  	v16 =	vld [tilespmem:s20+$0x9650]  }
0xa0: {  	v19 =	vld [tilespmem:s20+$0x9600]  }
0xa1: {  	v20 =	vld [tilespmem:s20+$0x9610]  }
0xa2: {  	s21 =	sadd.s32 $0x800, s21;
	v18 =	vld [tilespmem:s20+$0x9620]  }
0xa3: {  	v21 =	vld [tilespmem:s20+$0x9630]  }
0xa4: {  	v22 =	vld [tilespmem:s20+$0x9660]  }
0xa5: {  	v23 =	vld [tilespmem:s20+$0x9670];
	v12 =	vadd.f32 v19, v12  }
0xa6: {  	v42 =	vld [tilespmem:s20+$0x96A0];
	v15 =	vadd.f32 v20, v15  }
0xa7: {  	v43 =	vld [tilespmem:s20+$0x96B0];
	v14 =	vadd.f32 v18, v14;
	v12 =	vadd.f32 v17, v12  }
0xa8: {  	v44 =	vld [tilespmem:s20+$0x96E0];
	v13 =	vadd.f32 v21, v13;
	v15 =	vadd.f32 v16, v15  }
0xa9: {  	v45 =	vld [tilespmem:s20+$0x96F0];
	v14 =	vadd.f32 v22, v14;
	v11 =	vadd.f32 v11, v12  }
0xaa: {  	v47 =	vld [tilespmem:s20+$0x9720];
	v46 =	vadd.f32 v23, v13;
	v10 =	vadd.f32 v10, v15  }
0xab: {  	v48 =	vld [tilespmem:s20+$0x9730];
	v14 =	vadd.f32 v42, v14;
	v9 =	vadd.f32 v9, v11  }
0xac: {  	v50 =	vld [tilespmem:s20+$0x9760];
	v49 =	vadd.f32 v43, v46;
	v8 =	vadd.f32 v8, v10  }
0xad: {  	v51 =	vld [tilespmem:s20+$0x9770];
	v14 =	vadd.f32 v44, v14;
	v6 =	vadd.f32 v6, v9  }
0xae: {  	v53 =	vld [tilespmem:s20+$0x97A0];
	v52 =	vadd.f32 v45, v49;
	v7 =	vadd.f32 v7, v8  }
0xaf: {  	v54 =	vld [tilespmem:s20+$0x97B0];
	v13 =	vadd.f32 v47, v14;
	v4 =	vadd.f32 v4, v6  }
0xb0: {  	v56 =	vld [tilespmem:s20+$0x97E0];
	v55 =	vadd.f32 v48, v52;
	v5 =	vadd.f32 v5, v7  }
0xb1: {  	v57 =	vld [tilespmem:s20+$0x97F0];
	v12 =	vadd.f32 v50, v13;
	v2 =	vadd.f32 v2, v4  }
0xb2: {  	v58 =	vadd.f32 v51, v55;
	v3 =	vadd.f32 v3, v5  }
0xb3: {  	v59 =	vadd.f32 v53, v12;
	v0 =	vadd.f32 v0, v2  }
0xb4: {  	s18 =	sadd.s32 $0x1, s18;
	v60 =	vadd.f32 v54, v58;
	v1 =	vadd.f32 v1, v3  }
0xb5: {  	s19 =	sshll.u32 s19, $0x6;
	p0 =	sne.s32 s18, $0x40;
	v61 =	vadd.f32 v56, v59;
	v0 =	vmul.f32 $4.999999890e-03, v0  }
.Ltmp2:
0xb6: {  	s19 =	sand.u32 $0x3FFFFFC0, s19;
	v2 =	vadd.f32 v57, v60;
	v1 =	vmul.f32 $4.999999890e-03, v1;
	(pc) =	sbr.rel @p0 .LBB2_2-.Ltmp2, $4  }
0xb7: {  	[tilespmem:s19+$0xC800] =	vst v0;
	v62 =	vmul.f32 $4.999999890e-03, v61  }
0xb8: {  	[tilespmem:s19+$0xC810] =	vst v1;
	v63 =	vmul.f32 $4.999999890e-03, v2  }
0xb9: {  	[tilespmem:s19+$0xC820] =	vst v62  }
0xba: {  	[tilespmem:s19+$0xC830] =	vst v63  }
0xbb: {  	s17 =	sadd.s32 $0x1, s17  }
0xbc: {  	p0 =	sne.s32 s17, s6  }
.Ltmp3:
0xbd: {  	_ = 	snop;
	(pc) =	sbr.rel @p0 .LBB2_1-.Ltmp3, $4  }
0xbe: {  	[hbm4b:s5+s2] =	stream.linear.scatter [tilespmem:s16], [sflag:$0x3], $0x2000, $0x38;
	[tilespmem:$0xE800] =	vst v63  }
0xbf: {  	_ =	swait.ge [sflag:s7], $0x2000  }
0xc0: {  	[sflag:s7] =	ssyncset.done $0x0  }
0xc1: {  	[sflag:s7] =	ssyncadd.s32 $0xFFFFE000  }
0xc2: {  	_ =	sfence.sel $0x180000  }
0xc3: {  	[bflag:$0x0] =	sbarrier.arrive $0xFFFF  }
0xc4: {  	p0 =	sne.s32 s0, $0x0;
	_ =	strace $0x90000047  }
0xc5: {  	s0 =	sadd.s32 @!p0 $0x100000, s1;
	[bflag:$0x2] =	sbarrier.arrive $0xFFFF  }
0xc6: {  	[sflag:s0] =	ssyncadd.tile.s32 @!p0 $0x1;
	_ =	shalt  }
.Lfunc_end2:
_tile_overlayer_lowered:
.L_overlay_start_2:
0xc7: {  	(tag) =	ssettag $0x2  }
0xc8: {  	s0 =	rddreg [dreg:$0x0];
	s2 =	stileid.u32  }
0xc9: {  	s1 =	rddreg [dreg:$0x1];
	p0 =	sne.s32 s2, $0x0  }
0xca: {  	s3 =	rddreg [dreg:$0x2];
	[bflag:$0x3] =	sbarrier.arrive $0xFFFF;
	s2 =	simm.s32 @!p0 $0x1C03  }
0xcb: {  	[timem:s3], [sflag:s2] =	dma.local @!p0 [hbm:s0], s1  }
0xcc: {  	s0 =	simm.s32 @!p0 $0x3  }
0xcd: {  	_ =	swait.ge @!p0 [sflag:s0], s1  }
0xce: {  	s1 =	ssub.s32 @!p0 $0x0, s1;
	[sflag:s0] =	ssyncset.done @!p0 $0x0  }
0xcf: {  	[sflag:s0] =	ssyncadd.s32 @!p0 s1  }
0xd0: {  	[bflag:$0x3] =	sbarrier.arrive $0xFFFF  }
0xd1: {  	_ =	shalt  }

</sc_bundles>
